<compile_context>
chip_gen: v7x
topology: tpu7x:2x2x1
jax: 0.10.2.dev20260603
libtpu: 0.0.44.dev20260713+nightly
codegen_flags: <defaults>
</compile_context>

<pallas_src>
import functools

import jax
import jax.numpy as jnp
from jax import lax
from jax.experimental import pallas as pl
from jax.experimental.pallas import tpu as pltpu
from jax.experimental.pallas import tpu_sc as plsc

B, N, D = 1024, 50, 512
NUM_TYPES = 4
N_PAD = 56

CH = 16
NBUF = 16
LEAD = 8
T = B // CH


def _make_sc_gather():
    mesh = plsc.VectorSubcoreMesh(core_axis_name="c", subcore_axis_name="s")

    @functools.partial(
        pl.kernel,
        mesh=mesh,
        out_type=jax.ShapeDtypeStruct((N_PAD, D), jnp.float32),
        scratch_types=[
            pltpu.VMEM((N_PAD,), jnp.int32),
            pltpu.VMEM((N_PAD, D), jnp.float32),
            pltpu.SemaphoreType.DMA,
        ],
    )
    def gather(tid_hbm, emb_hbm, temb_hbm, tid_v, temb_v, sem):
        wid = lax.axis_index("s") * 2 + lax.axis_index("c")

        @pl.when(wid == 0)
        def _():
            pltpu.sync_copy(tid_hbm, tid_v)
            pltpu.async_copy(emb_hbm.at[tid_v], temb_v, sem).wait()
            pltpu.sync_copy(temb_v, temb_hbm)

    return gather


_sc_gather_cache = []


def _sc_gather(tid, emb):
    if not _sc_gather_cache:
        _sc_gather_cache.append(_make_sc_gather())
    return _sc_gather_cache[0](tid, emb)


def _tc_body(temb_ref, x_hbm, o_hbm, *rest):
    bufs = rest[:NBUF]
    isems = rest[NBUF:2 * NBUF]
    osems = rest[2 * NBUF:3 * NBUF]

    def in_copy(t, p):
        return pltpu.make_async_copy(
            x_hbm.at[pl.ds(t * CH, CH)], bufs[p], isems[p])

    def out_copy(t, p):
        return pltpu.make_async_copy(
            bufs[p], o_hbm.at[pl.ds(t * CH, CH)], osems[p])

    for t in range(LEAD):
        in_copy(t, t % NBUF).start()

    temb = temb_ref[...]

    def step(t0, carry):
        for p in range(NBUF):
            t = t0 + p
            in_copy(t, p).wait()

            @pl.when(t + LEAD < T)
            def _():
                pf = (p + LEAD) % NBUF

                @pl.when(t >= NBUF - LEAD)
                def _():
                    out_copy(t - (NBUF - LEAD), pf).wait()

                in_copy(t + LEAD, pf).start()

            bufs[p][...] = bufs[p][...] + temb[None]
            out_copy(t, p).start()
        return carry

    lax.fori_loop(0, T // NBUF, lambda s, c: step(s * NBUF, c), 0)

    for t in range(T - NBUF, T):
        out_copy(t, t % NBUF).wait()


def kernel(channel_stack, type_ids, embeddings):
    tid = jnp.zeros((N_PAD,), jnp.int32).at[:N].set(type_ids.astype(jnp.int32))
    temb = _sc_gather(tid, embeddings)[:N]
    return pl.pallas_call(
        _tc_body,
        in_specs=[
            pl.BlockSpec(memory_space=pltpu.MemorySpace.VMEM),
            pl.BlockSpec(memory_space=pltpu.MemorySpace.HBM),
        ],
        out_specs=pl.BlockSpec(memory_space=pltpu.MemorySpace.HBM),
        out_shape=jax.ShapeDtypeStruct((B, N, D), jnp.float32),
        scratch_shapes=[pltpu.VMEM((CH, N, D), jnp.float32) for _ in range(NBUF)]
        + [pltpu.SemaphoreType.DMA for _ in range(2 * NBUF)],
    )(temb, channel_stack)

# --- scband reference (transcript-rebuilt; emitter-appended) ---
"""Pipeline reference for scband-channel-type-embedding-35287451304103 (READ-ONLY COPY).

The authoritative reference and input builder live on the scoring server;
editing this copy changes nothing except your own understanding.
"""

import jax, jax.numpy as jnp
import numpy as np

B, N, D = 1024, 50, 512
NUM_TYPES = 4

def setup_inputs(seed: int = 0) -> dict:
    key = jax.random.key(seed)
    k1, k2, k3 = jax.random.split(key, 3)
    channel_stack = jax.random.normal(k1, (B, N, D), dtype=jnp.float32)
    # type_ids replaces the list[str] channel_types arg: CHANNEL_TYPES.index(t) for each channel
    type_ids = jax.random.randint(k2, (N,), 0, NUM_TYPES)
    # nn.Embedding weight (num_embeddings=4, embedding_dim=d_model)
    embeddings = jax.random.normal(k3, (NUM_TYPES, D), dtype=jnp.float32)
    return {"channel_stack": channel_stack, "type_ids": type_ids, "embeddings": embeddings}

def reference(channel_stack, type_ids, embeddings):
    # type_emb = self.embeddings(type_ids)  -> gather rows from table
    type_emb = jnp.take(embeddings, type_ids, axis=0)  # (N, D)
    # broadcast add over batch: channel_stack + type_emb.unsqueeze(0)
    return channel_stack + type_emb[None, :, :]

if __name__ == "__main__":
    import jax
    _d = setup_inputs()
    print(jax.jit(kernel)(*tuple(_d.values())))

</pallas_src>

<mosaic_0001>
#map = affine_map<(d0, d1) -> (0)>
#map1 = affine_map<(d0, d1) -> (0, 0)>
module attributes {stable_mosaic.version = 14 : i64} {
  func.func @gather(%arg0: i32, %arg1: i32, %arg2: memref<56xi32, #tpu.memory_space<hbm>>, %arg3: memref<4x512xf32, #tpu.memory_space<hbm>>, %arg4: memref<56x512xf32, #tpu.memory_space<hbm>>, %arg5: memref<56xi32, #tpu.memory_space<vmem>>, %arg6: memref<56x512xf32, #tpu.memory_space<vmem>>, %arg7: memref<!tpu.dma_semaphore, #tpu.memory_space<semaphore_mem>>) attributes {dimension_semantics = [#tpu.dimension_semantics<core_parallel>, #tpu.dimension_semantics<subcore_parallel>], iteration_bounds = array<i64: 2, 16>, scalar_prefetch = 0 : i64, scratch_operands = 3 : i64, tpu.core_type = #tpu.core_type<sc_vector_subcore>, window_params = [{transform_indices = #map}, {transform_indices = #map1}, {transform_indices = #map1}]} {
    %mul3A = arith.constant 2 : i32
    %mul3A_0 = arith.muli %arg1, %mul3A : i32
    %add3A = arith.addi %mul3A_0, %arg0 : i32
    %eq3A = arith.constant 0 : i32
    %eq3A_1 = arith.cmpi eq, %add3A, %eq3A : i32
    %convert_element_type3A = arith.extui %eq3A_1 : i1 to i32
    %cond3A = arith.constant 0 : i32
    %cond3A_2 = arith.cmpi ne, %convert_element_type3A, %cond3A : i32
    scf.if %cond3A_2 {
      "tpu.region"() ({
        %run_scoped3A = tpu.sem_alloc : memref<!tpu.dma_semaphore, #tpu.memory_space<semaphore_mem>>
        tpu.enqueue_dma source(%arg2 : memref<56xi32, #tpu.memory_space<hbm>>) target(%arg5 : memref<56xi32, #tpu.memory_space<vmem>>) target_semaphore(%run_scoped3A : memref<!tpu.dma_semaphore, #tpu.memory_space<semaphore_mem>>)
        tpu.wait_dma2 semaphore(%run_scoped3A : memref<!tpu.dma_semaphore, #tpu.memory_space<semaphore_mem>>) src(%arg2 : memref<56xi32, #tpu.memory_space<hbm>>) dst(%arg5 : memref<56xi32, #tpu.memory_space<vmem>>)
        tpu.yield
      }) : () -> ()
      %dma_start3A = arith.constant 0 : i32
      %dma_start3A_3 = arith.constant 0 : i32
      %dma_start3A_4 = tpu.memref_slice %arg3[%dma_start3A, %dma_start3A_3] : memref<4x512xf32, #tpu.memory_space<hbm>> -> memref<4x512xf32, #tpu.memory_space<hbm>>
      tpu.enqueue_indirect_dma source(%dma_start3A_4 : memref<4x512xf32, #tpu.memory_space<hbm>>) target(%arg6 : memref<56x512xf32, #tpu.memory_space<vmem>>) offsets(%arg5 : memref<56xi32, #tpu.memory_space<vmem>>) semaphore(%arg7 : memref<!tpu.dma_semaphore, #tpu.memory_space<semaphore_mem>>)
      %dma_wait3A = arith.constant 0 : i32
      %dma_wait3A_5 = arith.constant 0 : i32
      %dma_wait3A_6 = tpu.memref_slice %arg3[%dma_wait3A, %dma_wait3A_5] : memref<4x512xf32, #tpu.memory_space<hbm>> -> memref<4x512xf32, #tpu.memory_space<hbm>>
      tpu.wait_indirect_dma semaphore(%arg7 : memref<!tpu.dma_semaphore, #tpu.memory_space<semaphore_mem>>) src(%dma_wait3A_6 : memref<4x512xf32, #tpu.memory_space<hbm>>) dst(%arg6 : memref<56x512xf32, #tpu.memory_space<vmem>>)
      "tpu.region"() ({
        %run_scoped3A = tpu.sem_alloc : memref<!tpu.dma_semaphore, #tpu.memory_space<semaphore_mem>>
        tpu.enqueue_dma source(%arg6 : memref<56x512xf32, #tpu.memory_space<vmem>>) target(%arg4 : memref<56x512xf32, #tpu.memory_space<hbm>>) target_semaphore(%run_scoped3A : memref<!tpu.dma_semaphore, #tpu.memory_space<semaphore_mem>>)
        tpu.wait_dma2 semaphore(%run_scoped3A : memref<!tpu.dma_semaphore, #tpu.memory_space<semaphore_mem>>) src(%arg6 : memref<56x512xf32, #tpu.memory_space<vmem>>) dst(%arg4 : memref<56x512xf32, #tpu.memory_space<hbm>>)
        tpu.yield
      }) : () -> ()
    } else {
    }
    return
  }
}

module attributes {stable_mosaic.version = 14 : i64} {
  func.func @_tc_body(%arg0: memref<50x512xf32, #tpu.memory_space<vmem>>, %arg1: memref<1024x50x512xf32, #tpu.memory_space<hbm>>, %arg2: memref<1024x50x512xf32, #tpu.memory_space<hbm>>, %arg3: memref<16x50x512xf32, #tpu.memory_space<vmem>>, %arg4: memref<16x50x512xf32, #tpu.memory_space<vmem>>, %arg5: memref<16x50x512xf32, #tpu.memory_space<vmem>>, %arg6: memref<16x50x512xf32, #tpu.memory_space<vmem>>, %arg7: memref<16x50x512xf32, #tpu.memory_space<vmem>>, %arg8: memref<16x50x512xf32, #tpu.memory_space<vmem>>, %arg9: memref<16x50x512xf32, #tpu.memory_space<vmem>>, %arg10: memref<16x50x512xf32, #tpu.memory_space<vmem>>, %arg11: memref<16x50x512xf32, #tpu.memory_space<vmem>>, %arg12: memref<16x50x512xf32, #tpu.memory_space<vmem>>, %arg13: memref<16x50x512xf32, #tpu.memory_space<vmem>>, %arg14: memref<16x50x512xf32, #tpu.memory_space<vmem>>, %arg15: memref<16x50x512xf32, #tpu.memory_space<vmem>>, %arg16: memref<16x50x512xf32, #tpu.memory_space<vmem>>, %arg17: memref<16x50x512xf32, #tpu.memory_space<vmem>>, %arg18: memref<16x50x512xf32, #tpu.memory_space<vmem>>, %arg19: memref<!tpu.dma_semaphore, #tpu.memory_space<semaphore_mem>>, %arg20: memref<!tpu.dma_semaphore, #tpu.memory_space<semaphore_mem>>, %arg21: memref<!tpu.dma_semaphore, #tpu.memory_space<semaphore_mem>>, %arg22: memref<!tpu.dma_semaphore, #tpu.memory_space<semaphore_mem>>, %arg23: memref<!tpu.dma_semaphore, #tpu.memory_space<semaphore_mem>>, %arg24: memref<!tpu.dma_semaphore, #tpu.memory_space<semaphore_mem>>, %arg25: memref<!tpu.dma_semaphore, #tpu.memory_space<semaphore_mem>>, %arg26: memref<!tpu.dma_semaphore, #tpu.memory_space<semaphore_mem>>, %arg27: memref<!tpu.dma_semaphore, #tpu.memory_space<semaphore_mem>>, %arg28: memref<!tpu.dma_semaphore, #tpu.memory_space<semaphore_mem>>, %arg29: memref<!tpu.dma_semaphore, #tpu.memory_space<semaphore_mem>>, %arg30: memref<!tpu.dma_semaphore, #tpu.memory_space<semaphore_mem>>, %arg31: memref<!tpu.dma_semaphore, #tpu.memory_space<semaphore_mem>>, %arg32: memref<!tpu.dma_semaphore, #tpu.memory_space<semaphore_mem>>, %arg33: memref<!tpu.dma_semaphore, #tpu.memory_space<semaphore_mem>>, %arg34: memref<!tpu.dma_semaphore, #tpu.memory_space<semaphore_mem>>, %arg35: memref<!tpu.dma_semaphore, #tpu.memory_space<semaphore_mem>>, %arg36: memref<!tpu.dma_semaphore, #tpu.memory_space<semaphore_mem>>, %arg37: memref<!tpu.dma_semaphore, #tpu.memory_space<semaphore_mem>>, %arg38: memref<!tpu.dma_semaphore, #tpu.memory_space<semaphore_mem>>, %arg39: memref<!tpu.dma_semaphore, #tpu.memory_space<semaphore_mem>>, %arg40: memref<!tpu.dma_semaphore, #tpu.memory_space<semaphore_mem>>, %arg41: memref<!tpu.dma_semaphore, #tpu.memory_space<semaphore_mem>>, %arg42: memref<!tpu.dma_semaphore, #tpu.memory_space<semaphore_mem>>, %arg43: memref<!tpu.dma_semaphore, #tpu.memory_space<semaphore_mem>>, %arg44: memref<!tpu.dma_semaphore, #tpu.memory_space<semaphore_mem>>, %arg45: memref<!tpu.dma_semaphore, #tpu.memory_space<semaphore_mem>>, %arg46: memref<!tpu.dma_semaphore, #tpu.memory_space<semaphore_mem>>, %arg47: memref<!tpu.dma_semaphore, #tpu.memory_space<semaphore_mem>>, %arg48: memref<!tpu.dma_semaphore, #tpu.memory_space<semaphore_mem>>, %arg49: memref<!tpu.dma_semaphore, #tpu.memory_space<semaphore_mem>>, %arg50: memref<!tpu.dma_semaphore, #tpu.memory_space<semaphore_mem>>) attributes {dimension_semantics = [], scalar_prefetch = 0 : i64, scratch_operands = 48 : i64, tpu.core_type = #tpu.core_type<tc>} {
    %dma_start3A = arith.constant 0 : i32
    %dma_start3A_0 = arith.constant 0 : i32
    %dma_start3A_1 = arith.constant 0 : i32
    %dma_start3A_2 = tpu.memref_slice %arg1[%dma_start3A, %dma_start3A_0, %dma_start3A_1] : memref<1024x50x512xf32, #tpu.memory_space<hbm>> -> memref<16x50x512xf32, #tpu.memory_space<hbm>>
    tpu.enqueue_dma source(%dma_start3A_2 : memref<16x50x512xf32, #tpu.memory_space<hbm>>) target(%arg3 : memref<16x50x512xf32, #tpu.memory_space<vmem>>) target_semaphore(%arg19 : memref<!tpu.dma_semaphore, #tpu.memory_space<semaphore_mem>>)
    %dma_start3A_3 = arith.constant 16 : i32
    %dma_start3A_4 = arith.constant 0 : i32
    %dma_start3A_5 = arith.constant 0 : i32
    %dma_start3A_6 = tpu.memref_slice %arg1[%dma_start3A_3, %dma_start3A_4, %dma_start3A_5] : memref<1024x50x512xf32, #tpu.memory_space<hbm>> -> memref<16x50x512xf32, #tpu.memory_space<hbm>>
    tpu.enqueue_dma source(%dma_start3A_6 : memref<16x50x512xf32, #tpu.memory_space<hbm>>) target(%arg4 : memref<16x50x512xf32, #tpu.memory_space<vmem>>) target_semaphore(%arg20 : memref<!tpu.dma_semaphore, #tpu.memory_space<semaphore_mem>>)
    %dma_start3A_7 = arith.constant 32 : i32
    %dma_start3A_8 = arith.constant 0 : i32
    %dma_start3A_9 = arith.constant 0 : i32
    %dma_start3A_10 = tpu.memref_slice %arg1[%dma_start3A_7, %dma_start3A_8, %dma_start3A_9] : memref<1024x50x512xf32, #tpu.memory_space<hbm>> -> memref<16x50x512xf32, #tpu.memory_space<hbm>>
    tpu.enqueue_dma source(%dma_start3A_10 : memref<16x50x512xf32, #tpu.memory_space<hbm>>) target(%arg5 : memref<16x50x512xf32, #tpu.memory_space<vmem>>) target_semaphore(%arg21 : memref<!tpu.dma_semaphore, #tpu.memory_space<semaphore_mem>>)
    %dma_start3A_11 = arith.constant 48 : i32
    %dma_start3A_12 = arith.constant 0 : i32
    %dma_start3A_13 = arith.constant 0 : i32
    %dma_start3A_14 = tpu.memref_slice %arg1[%dma_start3A_11, %dma_start3A_12, %dma_start3A_13] : memref<1024x50x512xf32, #tpu.memory_space<hbm>> -> memref<16x50x512xf32, #tpu.memory_space<hbm>>
    tpu.enqueue_dma source(%dma_start3A_14 : memref<16x50x512xf32, #tpu.memory_space<hbm>>) target(%arg6 : memref<16x50x512xf32, #tpu.memory_space<vmem>>) target_semaphore(%arg22 : memref<!tpu.dma_semaphore, #tpu.memory_space<semaphore_mem>>)
    %dma_start3A_15 = arith.constant 64 : i32
    %dma_start3A_16 = arith.constant 0 : i32
    %dma_start3A_17 = arith.constant 0 : i32
    %dma_start3A_18 = tpu.memref_slice %arg1[%dma_start3A_15, %dma_start3A_16, %dma_start3A_17] : memref<1024x50x512xf32, #tpu.memory_space<hbm>> -> memref<16x50x512xf32, #tpu.memory_space<hbm>>
    tpu.enqueue_dma source(%dma_start3A_18 : memref<16x50x512xf32, #tpu.memory_space<hbm>>) target(%arg7 : memref<16x50x512xf32, #tpu.memory_space<vmem>>) target_semaphore(%arg23 : memref<!tpu.dma_semaphore, #tpu.memory_space<semaphore_mem>>)
    %dma_start3A_19 = arith.constant 80 : i32
    %dma_start3A_20 = arith.constant 0 : i32
    %dma_start3A_21 = arith.constant 0 : i32
    %dma_start3A_22 = tpu.memref_slice %arg1[%dma_start3A_19, %dma_start3A_20, %dma_start3A_21] : memref<1024x50x512xf32, #tpu.memory_space<hbm>> -> memref<16x50x512xf32, #tpu.memory_space<hbm>>
    tpu.enqueue_dma source(%dma_start3A_22 : memref<16x50x512xf32, #tpu.memory_space<hbm>>) target(%arg8 : memref<16x50x512xf32, #tpu.memory_space<vmem>>) target_semaphore(%arg24 : memref<!tpu.dma_semaphore, #tpu.memory_space<semaphore_mem>>)
    %dma_start3A_23 = arith.constant 96 : i32
    %dma_start3A_24 = arith.constant 0 : i32
    %dma_start3A_25 = arith.constant 0 : i32
    %dma_start3A_26 = tpu.memref_slice %arg1[%dma_start3A_23, %dma_start3A_24, %dma_start3A_25] : memref<1024x50x512xf32, #tpu.memory_space<hbm>> -> memref<16x50x512xf32, #tpu.memory_space<hbm>>
    tpu.enqueue_dma source(%dma_start3A_26 : memref<16x50x512xf32, #tpu.memory_space<hbm>>) target(%arg9 : memref<16x50x512xf32, #tpu.memory_space<vmem>>) target_semaphore(%arg25 : memref<!tpu.dma_semaphore, #tpu.memory_space<semaphore_mem>>)
    %dma_start3A_27 = arith.constant 112 : i32
    %dma_start3A_28 = arith.constant 0 : i32
    %dma_start3A_29 = arith.constant 0 : i32
    %dma_start3A_30 = tpu.memref_slice %arg1[%dma_start3A_27, %dma_start3A_28, %dma_start3A_29] : memref<1024x50x512xf32, #tpu.memory_space<hbm>> -> memref<16x50x512xf32, #tpu.memory_space<hbm>>
    tpu.enqueue_dma source(%dma_start3A_30 : memref<16x50x512xf32, #tpu.memory_space<hbm>>) target(%arg10 : memref<16x50x512xf32, #tpu.memory_space<vmem>>) target_semaphore(%arg26 : memref<!tpu.dma_semaphore, #tpu.memory_space<semaphore_mem>>)
    %get3A = arith.constant 0 : index
    %get3A_31 = arith.constant 0 : index
    %get3A_32 = vector.load %arg0[%get3A, %get3A_31] : memref<50x512xf32, #tpu.memory_space<vmem>>, vector<50x512xf32>
    %scan3A = arith.constant 0 : i32
    %scan3A_33 = arith.constant 4 : i32
    %scan3A_34 = arith.addi %scan3A, %scan3A_33 : i32
    %scan3A_35 = arith.constant 1 : i32
    scf.for %scan3A_100 = %scan3A to %scan3A_34 step %scan3A_35  : i32 {
      %mul3A = arith.constant 16 : i32
      %mul3A_101 = arith.muli %scan3A_100, %mul3A : i32
      %add3A = arith.constant 0 : i32
      %add3A_102 = arith.addi %mul3A_101, %add3A : i32
      %mul3A_103 = arith.constant 16 : i32
      %mul3A_104 = arith.muli %add3A_102, %mul3A_103 : i32
      %dma_wait3A_105 = arith.constant 0 : i32
      %dma_wait3A_106 = arith.constant 0 : i32
      %dma_wait3A_107 = tpu.memref_slice %arg1[%mul3A_104, %dma_wait3A_105, %dma_wait3A_106] : memref<1024x50x512xf32, #tpu.memory_space<hbm>> -> memref<16x50x512xf32, #tpu.memory_space<hbm>>
      tpu.wait_dma2 semaphore(%arg19 : memref<!tpu.dma_semaphore, #tpu.memory_space<semaphore_mem>>) src(%dma_wait3A_107 : memref<16x50x512xf32, #tpu.memory_space<hbm>>) dst(%arg3 : memref<16x50x512xf32, #tpu.memory_space<vmem>>)
      %add3A_108 = arith.constant 8 : i32
      %add3A_109 = arith.addi %add3A_102, %add3A_108 : i32
      %lt3A = arith.constant 64 : i32
      %lt3A_110 = arith.cmpi slt, %add3A_109, %lt3A : i32
      %convert_element_type3A = arith.extui %lt3A_110 : i1 to i32
      %cond3A = arith.constant 0 : i32
      %cond3A_111 = arith.cmpi ne, %convert_element_type3A, %cond3A : i32
      scf.if %cond3A_111 {
        %ge3A = arith.constant 8 : i32
        %ge3A_576 = arith.cmpi sge, %add3A_102, %ge3A : i32
        %convert_element_type3A_577 = arith.extui %ge3A_576 : i1 to i32
        %cond3A_578 = arith.constant 0 : i32
        %cond3A_579 = arith.cmpi ne, %convert_element_type3A_577, %cond3A_578 : i32
        scf.if %cond3A_579 {
          %sub3A = arith.constant 8 : i32
          %sub3A_587 = arith.subi %add3A_102, %sub3A : i32
          %mul3A_588 = arith.constant 16 : i32
          %mul3A_589 = arith.muli %sub3A_587, %mul3A_588 : i32
          %dma_wait3A_590 = arith.constant 0 : i32
          %dma_wait3A_591 = arith.constant 0 : i32
          %dma_wait3A_592 = tpu.memref_slice %arg2[%mul3A_589, %dma_wait3A_590, %dma_wait3A_591] : memref<1024x50x512xf32, #tpu.memory_space<hbm>> -> memref<16x50x512xf32, #tpu.memory_space<hbm>>
          tpu.wait_dma2 semaphore(%arg43 : memref<!tpu.dma_semaphore, #tpu.memory_space<semaphore_mem>>) src(%arg11 : memref<16x50x512xf32, #tpu.memory_space<vmem>>) dst(%dma_wait3A_592 : memref<16x50x512xf32, #tpu.memory_space<hbm>>)
        } else {
        }
        %add3A_580 = arith.constant 8 : i32
        %add3A_581 = arith.addi %add3A_102, %add3A_580 : i32
        %mul3A_582 = arith.constant 16 : i32
        %mul3A_583 = arith.muli %add3A_581, %mul3A_582 : i32
        %dma_start3A_584 = arith.constant 0 : i32
        %dma_start3A_585 = arith.constant 0 : i32
        %dma_start3A_586 = tpu.memref_slice %arg1[%mul3A_583, %dma_start3A_584, %dma_start3A_585] : memref<1024x50x512xf32, #tpu.memory_space<hbm>> -> memref<16x50x512xf32, #tpu.memory_space<hbm>>
        tpu.enqueue_dma source(%dma_start3A_586 : memref<16x50x512xf32, #tpu.memory_space<hbm>>) target(%arg11 : memref<16x50x512xf32, #tpu.memory_space<vmem>>) target_semaphore(%arg27 : memref<!tpu.dma_semaphore, #tpu.memory_space<semaphore_mem>>)
      } else {
      }
      %get3A_112 = arith.constant 0 : index
      %get3A_113 = arith.constant 0 : index
      %get3A_114 = arith.constant 0 : index
      %get3A_115 = vector.load %arg3[%get3A_112, %get3A_113, %get3A_114] : memref<16x50x512xf32, #tpu.memory_space<vmem>>, vector<16x50x512xf32>
      %broadcast_in_dim3A = vector.shape_cast %get3A_32 : vector<50x512xf32> to vector<1x50x512xf32>
      %add3A_116 = vector.broadcast %broadcast_in_dim3A : vector<1x50x512xf32> to vector<16x50x512xf32>
      %add3A_117 = arith.addf %get3A_115, %add3A_116 : vector<16x50x512xf32>
      %swap3A = arith.constant 0 : index
      %swap3A_118 = arith.constant 0 : index
      %swap3A_119 = arith.constant 0 : index
      %swap3A_120 = vector.load %arg3[%swap3A, %swap3A_118, %swap3A_119] : memref<16x50x512xf32, #tpu.memory_space<vmem>>, vector<16x50x512xf32>
      tpu.vector_store %arg3[%swap3A, %swap3A_118, %swap3A_119], %add3A_117 {strides = array<i32>} : memref<16x50x512xf32, #tpu.memory_space<vmem>>, vector<16x50x512xf32>,
      %mul3A_121 = arith.constant 16 : i32
      %mul3A_122 = arith.muli %add3A_102, %mul3A_121 : i32
      %dma_start3A_123 = arith.constant 0 : i32
      %dma_start3A_124 = arith.constant 0 : i32
      %dma_start3A_125 = tpu.memref_slice %arg2[%mul3A_122, %dma_start3A_123, %dma_start3A_124] : memref<1024x50x512xf32, #tpu.memory_space<hbm>> -> memref<16x50x512xf32, #tpu.memory_space<hbm>>
      tpu.enqueue_dma source(%arg3 : memref<16x50x512xf32, #tpu.memory_space<vmem>>) target(%dma_start3A_125 : memref<16x50x512xf32, #tpu.memory_space<hbm>>) target_semaphore(%arg35 : memref<!tpu.dma_semaphore, #tpu.memory_space<semaphore_mem>>)
      %add3A_126 = arith.constant 1 : i32
      %add3A_127 = arith.addi %mul3A_101, %add3A_126 : i32
      %mul3A_128 = arith.constant 16 : i32
      %mul3A_129 = arith.muli %add3A_127, %mul3A_128 : i32
      %dma_wait3A_130 = arith.constant 0 : i32
      %dma_wait3A_131 = arith.constant 0 : i32
      %dma_wait3A_132 = tpu.memref_slice %arg1[%mul3A_129, %dma_wait3A_130, %dma_wait3A_131] : memref<1024x50x512xf32, #tpu.memory_space<hbm>> -> memref<16x50x512xf32, #tpu.memory_space<hbm>>
      tpu.wait_dma2 semaphore(%arg20 : memref<!tpu.dma_semaphore, #tpu.memory_space<semaphore_mem>>) src(%dma_wait3A_132 : memref<16x50x512xf32, #tpu.memory_space<hbm>>) dst(%arg4 : memref<16x50x512xf32, #tpu.memory_space<vmem>>)
      %add3A_133 = arith.constant 8 : i32
      %add3A_134 = arith.addi %add3A_127, %add3A_133 : i32
      %lt3A_135 = arith.constant 64 : i32
      %lt3A_136 = arith.cmpi slt, %add3A_134, %lt3A_135 : i32
      %convert_element_type3A_137 = arith.extui %lt3A_136 : i1 to i32
      %cond3A_138 = arith.constant 0 : i32
      %cond3A_139 = arith.cmpi ne, %convert_element_type3A_137, %cond3A_138 : i32
      scf.if %cond3A_139 {
        %ge3A = arith.constant 8 : i32
        %ge3A_576 = arith.cmpi sge, %add3A_127, %ge3A : i32
        %convert_element_type3A_577 = arith.extui %ge3A_576 : i1 to i32
        %cond3A_578 = arith.constant 0 : i32
        %cond3A_579 = arith.cmpi ne, %convert_element_type3A_577, %cond3A_578 : i32
        scf.if %cond3A_579 {
          %sub3A = arith.constant 8 : i32
          %sub3A_587 = arith.subi %add3A_127, %sub3A : i32
          %mul3A_588 = arith.constant 16 : i32
          %mul3A_589 = arith.muli %sub3A_587, %mul3A_588 : i32
          %dma_wait3A_590 = arith.constant 0 : i32
          %dma_wait3A_591 = arith.constant 0 : i32
          %dma_wait3A_592 = tpu.memref_slice %arg2[%mul3A_589, %dma_wait3A_590, %dma_wait3A_591] : memref<1024x50x512xf32, #tpu.memory_space<hbm>> -> memref<16x50x512xf32, #tpu.memory_space<hbm>>
          tpu.wait_dma2 semaphore(%arg44 : memref<!tpu.dma_semaphore, #tpu.memory_space<semaphore_mem>>) src(%arg12 : memref<16x50x512xf32, #tpu.memory_space<vmem>>) dst(%dma_wait3A_592 : memref<16x50x512xf32, #tpu.memory_space<hbm>>)
        } else {
        }
        %add3A_580 = arith.constant 8 : i32
        %add3A_581 = arith.addi %add3A_127, %add3A_580 : i32
        %mul3A_582 = arith.constant 16 : i32
        %mul3A_583 = arith.muli %add3A_581, %mul3A_582 : i32
        %dma_start3A_584 = arith.constant 0 : i32
        %dma_start3A_585 = arith.constant 0 : i32
        %dma_start3A_586 = tpu.memref_slice %arg1[%mul3A_583, %dma_start3A_584, %dma_start3A_585] : memref<1024x50x512xf32, #tpu.memory_space<hbm>> -> memref<16x50x512xf32, #tpu.memory_space<hbm>>
        tpu.enqueue_dma source(%dma_start3A_586 : memref<16x50x512xf32, #tpu.memory_space<hbm>>) target(%arg12 : memref<16x50x512xf32, #tpu.memory_space<vmem>>) target_semaphore(%arg28 : memref<!tpu.dma_semaphore, #tpu.memory_space<semaphore_mem>>)
      } else {
      }
      %get3A_140 = arith.constant 0 : index
      %get3A_141 = arith.constant 0 : index
      %get3A_142 = arith.constant 0 : index
      %get3A_143 = vector.load %arg4[%get3A_140, %get3A_141, %get3A_142] : memref<16x50x512xf32, #tpu.memory_space<vmem>>, vector<16x50x512xf32>
      %broadcast_in_dim3A_144 = vector.shape_cast %get3A_32 : vector<50x512xf32> to vector<1x50x512xf32>
      %add3A_145 = vector.broadcast %broadcast_in_dim3A_144 : vector<1x50x512xf32> to vector<16x50x512xf32>
      %add3A_146 = arith.addf %get3A_143, %add3A_145 : vector<16x50x512xf32>
      %swap3A_147 = arith.constant 0 : index
      %swap3A_148 = arith.constant 0 : index
      %swap3A_149 = arith.constant 0 : index
      %swap3A_150 = vector.load %arg4[%swap3A_147, %swap3A_148, %swap3A_149] : memref<16x50x512xf32, #tpu.memory_space<vmem>>, vector<16x50x512xf32>
      tpu.vector_store %arg4[%swap3A_147, %swap3A_148, %swap3A_149], %add3A_146 {strides = array<i32>} : memref<16x50x512xf32, #tpu.memory_space<vmem>>, vector<16x50x512xf32>,
      %mul3A_151 = arith.constant 16 : i32
      %mul3A_152 = arith.muli %add3A_127, %mul3A_151 : i32
      %dma_start3A_153 = arith.constant 0 : i32
      %dma_start3A_154 = arith.constant 0 : i32
      %dma_start3A_155 = tpu.memref_slice %arg2[%mul3A_152, %dma_start3A_153, %dma_start3A_154] : memref<1024x50x512xf32, #tpu.memory_space<hbm>> -> memref<16x50x512xf32, #tpu.memory_space<hbm>>
      tpu.enqueue_dma source(%arg4 : memref<16x50x512xf32, #tpu.memory_space<vmem>>) target(%dma_start3A_155 : memref<16x50x512xf32, #tpu.memory_space<hbm>>) target_semaphore(%arg36 : memref<!tpu.dma_semaphore, #tpu.memory_space<semaphore_mem>>)
      %add3A_156 = arith.constant 2 : i32
      %add3A_157 = arith.addi %mul3A_101, %add3A_156 : i32
      %mul3A_158 = arith.constant 16 : i32
      %mul3A_159 = arith.muli %add3A_157, %mul3A_158 : i32
      %dma_wait3A_160 = arith.constant 0 : i32
      %dma_wait3A_161 = arith.constant 0 : i32
      %dma_wait3A_162 = tpu.memref_slice %arg1[%mul3A_159, %dma_wait3A_160, %dma_wait3A_161] : memref<1024x50x512xf32, #tpu.memory_space<hbm>> -> memref<16x50x512xf32, #tpu.memory_space<hbm>>
      tpu.wait_dma2 semaphore(%arg21 : memref<!tpu.dma_semaphore, #tpu.memory_space<semaphore_mem>>) src(%dma_wait3A_162 : memref<16x50x512xf32, #tpu.memory_space<hbm>>) dst(%arg5 : memref<16x50x512xf32, #tpu.memory_space<vmem>>)
      %add3A_163 = arith.constant 8 : i32
      %add3A_164 = arith.addi %add3A_157, %add3A_163 : i32
      %lt3A_165 = arith.constant 64 : i32
      %lt3A_166 = arith.cmpi slt, %add3A_164, %lt3A_165 : i32
      %convert_element_type3A_167 = arith.extui %lt3A_166 : i1 to i32
      %cond3A_168 = arith.constant 0 : i32
      %cond3A_169 = arith.cmpi ne, %convert_element_type3A_167, %cond3A_168 : i32
      scf.if %cond3A_169 {
        %ge3A = arith.constant 8 : i32
        %ge3A_576 = arith.cmpi sge, %add3A_157, %ge3A : i32
        %convert_element_type3A_577 = arith.extui %ge3A_576 : i1 to i32
        %cond3A_578 = arith.constant 0 : i32
        %cond3A_579 = arith.cmpi ne, %convert_element_type3A_577, %cond3A_578 : i32
        scf.if %cond3A_579 {
          %sub3A = arith.constant 8 : i32
          %sub3A_587 = arith.subi %add3A_157, %sub3A : i32
          %mul3A_588 = arith.constant 16 : i32
          %mul3A_589 = arith.muli %sub3A_587, %mul3A_588 : i32
          %dma_wait3A_590 = arith.constant 0 : i32
          %dma_wait3A_591 = arith.constant 0 : i32
          %dma_wait3A_592 = tpu.memref_slice %arg2[%mul3A_589, %dma_wait3A_590, %dma_wait3A_591] : memref<1024x50x512xf32, #tpu.memory_space<hbm>> -> memref<16x50x512xf32, #tpu.memory_space<hbm>>
          tpu.wait_dma2 semaphore(%arg45 : memref<!tpu.dma_semaphore, #tpu.memory_space<semaphore_mem>>) src(%arg13 : memref<16x50x512xf32, #tpu.memory_space<vmem>>) dst(%dma_wait3A_592 : memref<16x50x512xf32, #tpu.memory_space<hbm>>)
        } else {
        }
        %add3A_580 = arith.constant 8 : i32
        %add3A_581 = arith.addi %add3A_157, %add3A_580 : i32
        %mul3A_582 = arith.constant 16 : i32
        %mul3A_583 = arith.muli %add3A_581, %mul3A_582 : i32
        %dma_start3A_584 = arith.constant 0 : i32
        %dma_start3A_585 = arith.constant 0 : i32
        %dma_start3A_586 = tpu.memref_slice %arg1[%mul3A_583, %dma_start3A_584, %dma_start3A_585] : memref<1024x50x512xf32, #tpu.memory_space<hbm>> -> memref<16x50x512xf32, #tpu.memory_space<hbm>>
        tpu.enqueue_dma source(%dma_start3A_586 : memref<16x50x512xf32, #tpu.memory_space<hbm>>) target(%arg13 : memref<16x50x512xf32, #tpu.memory_space<vmem>>) target_semaphore(%arg29 : memref<!tpu.dma_semaphore, #tpu.memory_space<semaphore_mem>>)
      } else {
      }
      %get3A_170 = arith.constant 0 : index
      %get3A_171 = arith.constant 0 : index
      %get3A_172 = arith.constant 0 : index
      %get3A_173 = vector.load %arg5[%get3A_170, %get3A_171, %get3A_172] : memref<16x50x512xf32, #tpu.memory_space<vmem>>, vector<16x50x512xf32>
      %broadcast_in_dim3A_174 = vector.shape_cast %get3A_32 : vector<50x512xf32> to vector<1x50x512xf32>
      %add3A_175 = vector.broadcast %broadcast_in_dim3A_174 : vector<1x50x512xf32> to vector<16x50x512xf32>
      %add3A_176 = arith.addf %get3A_173, %add3A_175 : vector<16x50x512xf32>
      %swap3A_177 = arith.constant 0 : index
      %swap3A_178 = arith.constant 0 : index
      %swap3A_179 = arith.constant 0 : index
      %swap3A_180 = vector.load %arg5[%swap3A_177, %swap3A_178, %swap3A_179] : memref<16x50x512xf32, #tpu.memory_space<vmem>>, vector<16x50x512xf32>
      tpu.vector_store %arg5[%swap3A_177, %swap3A_178, %swap3A_179], %add3A_176 {strides = array<i32>} : memref<16x50x512xf32, #tpu.memory_space<vmem>>, vector<16x50x512xf32>,
      %mul3A_181 = arith.constant 16 : i32
      %mul3A_182 = arith.muli %add3A_157, %mul3A_181 : i32
      %dma_start3A_183 = arith.constant 0 : i32
      %dma_start3A_184 = arith.constant 0 : i32
      %dma_start3A_185 = tpu.memref_slice %arg2[%mul3A_182, %dma_start3A_183, %dma_start3A_184] : memref<1024x50x512xf32, #tpu.memory_space<hbm>> -> memref<16x50x512xf32, #tpu.memory_space<hbm>>
      tpu.enqueue_dma source(%arg5 : memref<16x50x512xf32, #tpu.memory_space<vmem>>) target(%dma_start3A_185 : memref<16x50x512xf32, #tpu.memory_space<hbm>>) target_semaphore(%arg37 : memref<!tpu.dma_semaphore, #tpu.memory_space<semaphore_mem>>)
      %add3A_186 = arith.constant 3 : i32
      %add3A_187 = arith.addi %mul3A_101, %add3A_186 : i32
      %mul3A_188 = arith.constant 16 : i32
      %mul3A_189 = arith.muli %add3A_187, %mul3A_188 : i32
      %dma_wait3A_190 = arith.constant 0 : i32
      %dma_wait3A_191 = arith.constant 0 : i32
      %dma_wait3A_192 = tpu.memref_slice %arg1[%mul3A_189, %dma_wait3A_190, %dma_wait3A_191] : memref<1024x50x512xf32, #tpu.memory_space<hbm>> -> memref<16x50x512xf32, #tpu.memory_space<hbm>>
      tpu.wait_dma2 semaphore(%arg22 : memref<!tpu.dma_semaphore, #tpu.memory_space<semaphore_mem>>) src(%dma_wait3A_192 : memref<16x50x512xf32, #tpu.memory_space<hbm>>) dst(%arg6 : memref<16x50x512xf32, #tpu.memory_space<vmem>>)
      %add3A_193 = arith.constant 8 : i32
      %add3A_194 = arith.addi %add3A_187, %add3A_193 : i32
      %lt3A_195 = arith.constant 64 : i32
      %lt3A_196 = arith.cmpi slt, %add3A_194, %lt3A_195 : i32
      %convert_element_type3A_197 = arith.extui %lt3A_196 : i1 to i32
      %cond3A_198 = arith.constant 0 : i32
      %cond3A_199 = arith.cmpi ne, %convert_element_type3A_197, %cond3A_198 : i32
      scf.if %cond3A_199 {
        %ge3A = arith.constant 8 : i32
        %ge3A_576 = arith.cmpi sge, %add3A_187, %ge3A : i32
        %convert_element_type3A_577 = arith.extui %ge3A_576 : i1 to i32
        %cond3A_578 = arith.constant 0 : i32
        %cond3A_579 = arith.cmpi ne, %convert_element_type3A_577, %cond3A_578 : i32
        scf.if %cond3A_579 {
          %sub3A = arith.constant 8 : i32
          %sub3A_587 = arith.subi %add3A_187, %sub3A : i32
          %mul3A_588 = arith.constant 16 : i32
          %mul3A_589 = arith.muli %sub3A_587, %mul3A_588 : i32
          %dma_wait3A_590 = arith.constant 0 : i32
          %dma_wait3A_591 = arith.constant 0 : i32
          %dma_wait3A_592 = tpu.memref_slice %arg2[%mul3A_589, %dma_wait3A_590, %dma_wait3A_591] : memref<1024x50x512xf32, #tpu.memory_space<hbm>> -> memref<16x50x512xf32, #tpu.memory_space<hbm>>
          tpu.wait_dma2 semaphore(%arg46 : memref<!tpu.dma_semaphore, #tpu.memory_space<semaphore_mem>>) src(%arg14 : memref<16x50x512xf32, #tpu.memory_space<vmem>>) dst(%dma_wait3A_592 : memref<16x50x512xf32, #tpu.memory_space<hbm>>)
        } else {
        }
        %add3A_580 = arith.constant 8 : i32
        %add3A_581 = arith.addi %add3A_187, %add3A_580 : i32
        %mul3A_582 = arith.constant 16 : i32
        %mul3A_583 = arith.muli %add3A_581, %mul3A_582 : i32
        %dma_start3A_584 = arith.constant 0 : i32
        %dma_start3A_585 = arith.constant 0 : i32
        %dma_start3A_586 = tpu.memref_slice %arg1[%mul3A_583, %dma_start3A_584, %dma_start3A_585] : memref<1024x50x512xf32, #tpu.memory_space<hbm>> -> memref<16x50x512xf32, #tpu.memory_space<hbm>>
        tpu.enqueue_dma source(%dma_start3A_586 : memref<16x50x512xf32, #tpu.memory_space<hbm>>) target(%arg14 : memref<16x50x512xf32, #tpu.memory_space<vmem>>) target_semaphore(%arg30 : memref<!tpu.dma_semaphore, #tpu.memory_space<semaphore_mem>>)
      } else {
      }
      %get3A_200 = arith.constant 0 : index
      %get3A_201 = arith.constant 0 : index
      %get3A_202 = arith.constant 0 : index
      %get3A_203 = vector.load %arg6[%get3A_200, %get3A_201, %get3A_202] : memref<16x50x512xf32, #tpu.memory_space<vmem>>, vector<16x50x512xf32>
      %broadcast_in_dim3A_204 = vector.shape_cast %get3A_32 : vector<50x512xf32> to vector<1x50x512xf32>
      %add3A_205 = vector.broadcast %broadcast_in_dim3A_204 : vector<1x50x512xf32> to vector<16x50x512xf32>
      %add3A_206 = arith.addf %get3A_203, %add3A_205 : vector<16x50x512xf32>
      %swap3A_207 = arith.constant 0 : index
      %swap3A_208 = arith.constant 0 : index
      %swap3A_209 = arith.constant 0 : index
      %swap3A_210 = vector.load %arg6[%swap3A_207, %swap3A_208, %swap3A_209] : memref<16x50x512xf32, #tpu.memory_space<vmem>>, vector<16x50x512xf32>
      tpu.vector_store %arg6[%swap3A_207, %swap3A_208, %swap3A_209], %add3A_206 {strides = array<i32>} : memref<16x50x512xf32, #tpu.memory_space<vmem>>, vector<16x50x512xf32>,
      %mul3A_211 = arith.constant 16 : i32
      %mul3A_212 = arith.muli %add3A_187, %mul3A_211 : i32
      %dma_start3A_213 = arith.constant 0 : i32
      %dma_start3A_214 = arith.constant 0 : i32
      %dma_start3A_215 = tpu.memref_slice %arg2[%mul3A_212, %dma_start3A_213, %dma_start3A_214] : memref<1024x50x512xf32, #tpu.memory_space<hbm>> -> memref<16x50x512xf32, #tpu.memory_space<hbm>>
      tpu.enqueue_dma source(%arg6 : memref<16x50x512xf32, #tpu.memory_space<vmem>>) target(%dma_start3A_215 : memref<16x50x512xf32, #tpu.memory_space<hbm>>) target_semaphore(%arg38 : memref<!tpu.dma_semaphore, #tpu.memory_space<semaphore_mem>>)
      %add3A_216 = arith.constant 4 : i32
      %add3A_217 = arith.addi %mul3A_101, %add3A_216 : i32
      %mul3A_218 = arith.constant 16 : i32
      %mul3A_219 = arith.muli %add3A_217, %mul3A_218 : i32
      %dma_wait3A_220 = arith.constant 0 : i32
      %dma_wait3A_221 = arith.constant 0 : i32
      %dma_wait3A_222 = tpu.memref_slice %arg1[%mul3A_219, %dma_wait3A_220, %dma_wait3A_221] : memref<1024x50x512xf32, #tpu.memory_space<hbm>> -> memref<16x50x512xf32, #tpu.memory_space<hbm>>
      tpu.wait_dma2 semaphore(%arg23 : memref<!tpu.dma_semaphore, #tpu.memory_space<semaphore_mem>>) src(%dma_wait3A_222 : memref<16x50x512xf32, #tpu.memory_space<hbm>>) dst(%arg7 : memref<16x50x512xf32, #tpu.memory_space<vmem>>)
      %add3A_223 = arith.constant 8 : i32
      %add3A_224 = arith.addi %add3A_217, %add3A_223 : i32
      %lt3A_225 = arith.constant 64 : i32
      %lt3A_226 = arith.cmpi slt, %add3A_224, %lt3A_225 : i32
      %convert_element_type3A_227 = arith.extui %lt3A_226 : i1 to i32
      %cond3A_228 = arith.constant 0 : i32
      %cond3A_229 = arith.cmpi ne, %convert_element_type3A_227, %cond3A_228 : i32
      scf.if %cond3A_229 {
        %ge3A = arith.constant 8 : i32
        %ge3A_576 = arith.cmpi sge, %add3A_217, %ge3A : i32
        %convert_element_type3A_577 = arith.extui %ge3A_576 : i1 to i32
        %cond3A_578 = arith.constant 0 : i32
        %cond3A_579 = arith.cmpi ne, %convert_element_type3A_577, %cond3A_578 : i32
        scf.if %cond3A_579 {
          %sub3A = arith.constant 8 : i32
          %sub3A_587 = arith.subi %add3A_217, %sub3A : i32
          %mul3A_588 = arith.constant 16 : i32
          %mul3A_589 = arith.muli %sub3A_587, %mul3A_588 : i32
          %dma_wait3A_590 = arith.constant 0 : i32
          %dma_wait3A_591 = arith.constant 0 : i32
          %dma_wait3A_592 = tpu.memref_slice %arg2[%mul3A_589, %dma_wait3A_590, %dma_wait3A_591] : memref<1024x50x512xf32, #tpu.memory_space<hbm>> -> memref<16x50x512xf32, #tpu.memory_space<hbm>>
          tpu.wait_dma2 semaphore(%arg47 : memref<!tpu.dma_semaphore, #tpu.memory_space<semaphore_mem>>) src(%arg15 : memref<16x50x512xf32, #tpu.memory_space<vmem>>) dst(%dma_wait3A_592 : memref<16x50x512xf32, #tpu.memory_space<hbm>>)
        } else {
        }
        %add3A_580 = arith.constant 8 : i32
        %add3A_581 = arith.addi %add3A_217, %add3A_580 : i32
        %mul3A_582 = arith.constant 16 : i32
        %mul3A_583 = arith.muli %add3A_581, %mul3A_582 : i32
        %dma_start3A_584 = arith.constant 0 : i32
        %dma_start3A_585 = arith.constant 0 : i32
        %dma_start3A_586 = tpu.memref_slice %arg1[%mul3A_583, %dma_start3A_584, %dma_start3A_585] : memref<1024x50x512xf32, #tpu.memory_space<hbm>> -> memref<16x50x512xf32, #tpu.memory_space<hbm>>
        tpu.enqueue_dma source(%dma_start3A_586 : memref<16x50x512xf32, #tpu.memory_space<hbm>>) target(%arg15 : memref<16x50x512xf32, #tpu.memory_space<vmem>>) target_semaphore(%arg31 : memref<!tpu.dma_semaphore, #tpu.memory_space<semaphore_mem>>)
      } else {
      }
      %get3A_230 = arith.constant 0 : index
      %get3A_231 = arith.constant 0 : index
      %get3A_232 = arith.constant 0 : index
      %get3A_233 = vector.load %arg7[%get3A_230, %get3A_231, %get3A_232] : memref<16x50x512xf32, #tpu.memory_space<vmem>>, vector<16x50x512xf32>
      %broadcast_in_dim3A_234 = vector.shape_cast %get3A_32 : vector<50x512xf32> to vector<1x50x512xf32>
      %add3A_235 = vector.broadcast %broadcast_in_dim3A_234 : vector<1x50x512xf32> to vector<16x50x512xf32>
      %add3A_236 = arith.addf %get3A_233, %add3A_235 : vector<16x50x512xf32>
      %swap3A_237 = arith.constant 0 : index
      %swap3A_238 = arith.constant 0 : index
      %swap3A_239 = arith.constant 0 : index
      %swap3A_240 = vector.load %arg7[%swap3A_237, %swap3A_238, %swap3A_239] : memref<16x50x512xf32, #tpu.memory_space<vmem>>, vector<16x50x512xf32>
      tpu.vector_store %arg7[%swap3A_237, %swap3A_238, %swap3A_239], %add3A_236 {strides = array<i32>} : memref<16x50x512xf32, #tpu.memory_space<vmem>>, vector<16x50x512xf32>,
      %mul3A_241 = arith.constant 16 : i32
      %mul3A_242 = arith.muli %add3A_217, %mul3A_241 : i32
      %dma_start3A_243 = arith.constant 0 : i32
      %dma_start3A_244 = arith.constant 0 : i32
      %dma_start3A_245 = tpu.memref_slice %arg2[%mul3A_242, %dma_start3A_243, %dma_start3A_244] : memref<1024x50x512xf32, #tpu.memory_space<hbm>> -> memref<16x50x512xf32, #tpu.memory_space<hbm>>
      tpu.enqueue_dma source(%arg7 : memref<16x50x512xf32, #tpu.memory_space<vmem>>) target(%dma_start3A_245 : memref<16x50x512xf32, #tpu.memory_space<hbm>>) target_semaphore(%arg39 : memref<!tpu.dma_semaphore, #tpu.memory_space<semaphore_mem>>)
      %add3A_246 = arith.constant 5 : i32
      %add3A_247 = arith.addi %mul3A_101, %add3A_246 : i32
      %mul3A_248 = arith.constant 16 : i32
      %mul3A_249 = arith.muli %add3A_247, %mul3A_248 : i32
      %dma_wait3A_250 = arith.constant 0 : i32
      %dma_wait3A_251 = arith.constant 0 : i32
      %dma_wait3A_252 = tpu.memref_slice %arg1[%mul3A_249, %dma_wait3A_250, %dma_wait3A_251] : memref<1024x50x512xf32, #tpu.memory_space<hbm>> -> memref<16x50x512xf32, #tpu.memory_space<hbm>>
      tpu.wait_dma2 semaphore(%arg24 : memref<!tpu.dma_semaphore, #tpu.memory_space<semaphore_mem>>) src(%dma_wait3A_252 : memref<16x50x512xf32, #tpu.memory_space<hbm>>) dst(%arg8 : memref<16x50x512xf32, #tpu.memory_space<vmem>>)
      %add3A_253 = arith.constant 8 : i32
      %add3A_254 = arith.addi %add3A_247, %add3A_253 : i32
      %lt3A_255 = arith.constant 64 : i32
      %lt3A_256 = arith.cmpi slt, %add3A_254, %lt3A_255 : i32
      %convert_element_type3A_257 = arith.extui %lt3A_256 : i1 to i32
      %cond3A_258 = arith.constant 0 : i32
      %cond3A_259 = arith.cmpi ne, %convert_element_type3A_257, %cond3A_258 : i32
      scf.if %cond3A_259 {
        %ge3A = arith.constant 8 : i32
        %ge3A_576 = arith.cmpi sge, %add3A_247, %ge3A : i32
        %convert_element_type3A_577 = arith.extui %ge3A_576 : i1 to i32
        %cond3A_578 = arith.constant 0 : i32
        %cond3A_579 = arith.cmpi ne, %convert_element_type3A_577, %cond3A_578 : i32
        scf.if %cond3A_579 {
          %sub3A = arith.constant 8 : i32
          %sub3A_587 = arith.subi %add3A_247, %sub3A : i32
          %mul3A_588 = arith.constant 16 : i32
          %mul3A_589 = arith.muli %sub3A_587, %mul3A_588 : i32
          %dma_wait3A_590 = arith.constant 0 : i32
          %dma_wait3A_591 = arith.constant 0 : i32
          %dma_wait3A_592 = tpu.memref_slice %arg2[%mul3A_589, %dma_wait3A_590, %dma_wait3A_591] : memref<1024x50x512xf32, #tpu.memory_space<hbm>> -> memref<16x50x512xf32, #tpu.memory_space<hbm>>
          tpu.wait_dma2 semaphore(%arg48 : memref<!tpu.dma_semaphore, #tpu.memory_space<semaphore_mem>>) src(%arg16 : memref<16x50x512xf32, #tpu.memory_space<vmem>>) dst(%dma_wait3A_592 : memref<16x50x512xf32, #tpu.memory_space<hbm>>)
        } else {
        }
        %add3A_580 = arith.constant 8 : i32
        %add3A_581 = arith.addi %add3A_247, %add3A_580 : i32
        %mul3A_582 = arith.constant 16 : i32
        %mul3A_583 = arith.muli %add3A_581, %mul3A_582 : i32
        %dma_start3A_584 = arith.constant 0 : i32
        %dma_start3A_585 = arith.constant 0 : i32
        %dma_start3A_586 = tpu.memref_slice %arg1[%mul3A_583, %dma_start3A_584, %dma_start3A_585] : memref<1024x50x512xf32, #tpu.memory_space<hbm>> -> memref<16x50x512xf32, #tpu.memory_space<hbm>>
        tpu.enqueue_dma source(%dma_start3A_586 : memref<16x50x512xf32, #tpu.memory_space<hbm>>) target(%arg16 : memref<16x50x512xf32, #tpu.memory_space<vmem>>) target_semaphore(%arg32 : memref<!tpu.dma_semaphore, #tpu.memory_space<semaphore_mem>>)
      } else {
      }
      %get3A_260 = arith.constant 0 : index
      %get3A_261 = arith.constant 0 : index
      %get3A_262 = arith.constant 0 : index
      %get3A_263 = vector.load %arg8[%get3A_260, %get3A_261, %get3A_262] : memref<16x50x512xf32, #tpu.memory_space<vmem>>, vector<16x50x512xf32>
      %broadcast_in_dim3A_264 = vector.shape_cast %get3A_32 : vector<50x512xf32> to vector<1x50x512xf32>
      %add3A_265 = vector.broadcast %broadcast_in_dim3A_264 : vector<1x50x512xf32> to vector<16x50x512xf32>
      %add3A_266 = arith.addf %get3A_263, %add3A_265 : vector<16x50x512xf32>
      %swap3A_267 = arith.constant 0 : index
      %swap3A_268 = arith.constant 0 : index
      %swap3A_269 = arith.constant 0 : index
      %swap3A_270 = vector.load %arg8[%swap3A_267, %swap3A_268, %swap3A_269] : memref<16x50x512xf32, #tpu.memory_space<vmem>>, vector<16x50x512xf32>
      tpu.vector_store %arg8[%swap3A_267, %swap3A_268, %swap3A_269], %add3A_266 {strides = array<i32>} : memref<16x50x512xf32, #tpu.memory_space<vmem>>, vector<16x50x512xf32>,
      %mul3A_271 = arith.constant 16 : i32
      %mul3A_272 = arith.muli %add3A_247, %mul3A_271 : i32
      %dma_start3A_273 = arith.constant 0 : i32
      %dma_start3A_274 = arith.constant 0 : i32
      %dma_start3A_275 = tpu.memref_slice %arg2[%mul3A_272, %dma_start3A_273, %dma_start3A_274] : memref<1024x50x512xf32, #tpu.memory_space<hbm>> -> memref<16x50x512xf32, #tpu.memory_space<hbm>>
      tpu.enqueue_dma source(%arg8 : memref<16x50x512xf32, #tpu.memory_space<vmem>>) target(%dma_start3A_275 : memref<16x50x512xf32, #tpu.memory_space<hbm>>) target_semaphore(%arg40 : memref<!tpu.dma_semaphore, #tpu.memory_space<semaphore_mem>>)
      %add3A_276 = arith.constant 6 : i32
      %add3A_277 = arith.addi %mul3A_101, %add3A_276 : i32
      %mul3A_278 = arith.constant 16 : i32
      %mul3A_279 = arith.muli %add3A_277, %mul3A_278 : i32
      %dma_wait3A_280 = arith.constant 0 : i32
      %dma_wait3A_281 = arith.constant 0 : i32
      %dma_wait3A_282 = tpu.memref_slice %arg1[%mul3A_279, %dma_wait3A_280, %dma_wait3A_281] : memref<1024x50x512xf32, #tpu.memory_space<hbm>> -> memref<16x50x512xf32, #tpu.memory_space<hbm>>
      tpu.wait_dma2 semaphore(%arg25 : memref<!tpu.dma_semaphore, #tpu.memory_space<semaphore_mem>>) src(%dma_wait3A_282 : memref<16x50x512xf32, #tpu.memory_space<hbm>>) dst(%arg9 : memref<16x50x512xf32, #tpu.memory_space<vmem>>)
      %add3A_283 = arith.constant 8 : i32
      %add3A_284 = arith.addi %add3A_277, %add3A_283 : i32
      %lt3A_285 = arith.constant 64 : i32
      %lt3A_286 = arith.cmpi slt, %add3A_284, %lt3A_285 : i32
      %convert_element_type3A_287 = arith.extui %lt3A_286 : i1 to i32
      %cond3A_288 = arith.constant 0 : i32
      %cond3A_289 = arith.cmpi ne, %convert_element_type3A_287, %cond3A_288 : i32
      scf.if %cond3A_289 {
        %ge3A = arith.constant 8 : i32
        %ge3A_576 = arith.cmpi sge, %add3A_277, %ge3A : i32
        %convert_element_type3A_577 = arith.extui %ge3A_576 : i1 to i32
        %cond3A_578 = arith.constant 0 : i32
        %cond3A_579 = arith.cmpi ne, %convert_element_type3A_577, %cond3A_578 : i32
        scf.if %cond3A_579 {
          %sub3A = arith.constant 8 : i32
          %sub3A_587 = arith.subi %add3A_277, %sub3A : i32
          %mul3A_588 = arith.constant 16 : i32
          %mul3A_589 = arith.muli %sub3A_587, %mul3A_588 : i32
          %dma_wait3A_590 = arith.constant 0 : i32
          %dma_wait3A_591 = arith.constant 0 : i32
          %dma_wait3A_592 = tpu.memref_slice %arg2[%mul3A_589, %dma_wait3A_590, %dma_wait3A_591] : memref<1024x50x512xf32, #tpu.memory_space<hbm>> -> memref<16x50x512xf32, #tpu.memory_space<hbm>>
          tpu.wait_dma2 semaphore(%arg49 : memref<!tpu.dma_semaphore, #tpu.memory_space<semaphore_mem>>) src(%arg17 : memref<16x50x512xf32, #tpu.memory_space<vmem>>) dst(%dma_wait3A_592 : memref<16x50x512xf32, #tpu.memory_space<hbm>>)
        } else {
        }
        %add3A_580 = arith.constant 8 : i32
        %add3A_581 = arith.addi %add3A_277, %add3A_580 : i32
        %mul3A_582 = arith.constant 16 : i32
        %mul3A_583 = arith.muli %add3A_581, %mul3A_582 : i32
        %dma_start3A_584 = arith.constant 0 : i32
        %dma_start3A_585 = arith.constant 0 : i32
        %dma_start3A_586 = tpu.memref_slice %arg1[%mul3A_583, %dma_start3A_584, %dma_start3A_585] : memref<1024x50x512xf32, #tpu.memory_space<hbm>> -> memref<16x50x512xf32, #tpu.memory_space<hbm>>
        tpu.enqueue_dma source(%dma_start3A_586 : memref<16x50x512xf32, #tpu.memory_space<hbm>>) target(%arg17 : memref<16x50x512xf32, #tpu.memory_space<vmem>>) target_semaphore(%arg33 : memref<!tpu.dma_semaphore, #tpu.memory_space<semaphore_mem>>)
      } else {
      }
      %get3A_290 = arith.constant 0 : index
      %get3A_291 = arith.constant 0 : index
      %get3A_292 = arith.constant 0 : index
      %get3A_293 = vector.load %arg9[%get3A_290, %get3A_291, %get3A_292] : memref<16x50x512xf32, #tpu.memory_space<vmem>>, vector<16x50x512xf32>
      %broadcast_in_dim3A_294 = vector.shape_cast %get3A_32 : vector<50x512xf32> to vector<1x50x512xf32>
      %add3A_295 = vector.broadcast %broadcast_in_dim3A_294 : vector<1x50x512xf32> to vector<16x50x512xf32>
      %add3A_296 = arith.addf %get3A_293, %add3A_295 : vector<16x50x512xf32>
      %swap3A_297 = arith.constant 0 : index
      %swap3A_298 = arith.constant 0 : index
      %swap3A_299 = arith.constant 0 : index
      %swap3A_300 = vector.load %arg9[%swap3A_297, %swap3A_298, %swap3A_299] : memref<16x50x512xf32, #tpu.memory_space<vmem>>, vector<16x50x512xf32>
      tpu.vector_store %arg9[%swap3A_297, %swap3A_298, %swap3A_299], %add3A_296 {strides = array<i32>} : memref<16x50x512xf32, #tpu.memory_space<vmem>>, vector<16x50x512xf32>,
      %mul3A_301 = arith.constant 16 : i32
      %mul3A_302 = arith.muli %add3A_277, %mul3A_301 : i32
      %dma_start3A_303 = arith.constant 0 : i32
      %dma_start3A_304 = arith.constant 0 : i32
      %dma_start3A_305 = tpu.memref_slice %arg2[%mul3A_302, %dma_start3A_303, %dma_start3A_304] : memref<1024x50x512xf32, #tpu.memory_space<hbm>> -> memref<16x50x512xf32, #tpu.memory_space<hbm>>
      tpu.enqueue_dma source(%arg9 : memref<16x50x512xf32, #tpu.memory_space<vmem>>) target(%dma_start3A_305 : memref<16x50x512xf32, #tpu.memory_space<hbm>>) target_semaphore(%arg41 : memref<!tpu.dma_semaphore, #tpu.memory_space<semaphore_mem>>)
      %add3A_306 = arith.constant 7 : i32
      %add3A_307 = arith.addi %mul3A_101, %add3A_306 : i32
      %mul3A_308 = arith.constant 16 : i32
      %mul3A_309 = arith.muli %add3A_307, %mul3A_308 : i32
      %dma_wait3A_310 = arith.constant 0 : i32
      %dma_wait3A_311 = arith.constant 0 : i32
      %dma_wait3A_312 = tpu.memref_slice %arg1[%mul3A_309, %dma_wait3A_310, %dma_wait3A_311] : memref<1024x50x512xf32, #tpu.memory_space<hbm>> -> memref<16x50x512xf32, #tpu.memory_space<hbm>>
      tpu.wait_dma2 semaphore(%arg26 : memref<!tpu.dma_semaphore, #tpu.memory_space<semaphore_mem>>) src(%dma_wait3A_312 : memref<16x50x512xf32, #tpu.memory_space<hbm>>) dst(%arg10 : memref<16x50x512xf32, #tpu.memory_space<vmem>>)
      %add3A_313 = arith.constant 8 : i32
      %add3A_314 = arith.addi %add3A_307, %add3A_313 : i32
      %lt3A_315 = arith.constant 64 : i32
      %lt3A_316 = arith.cmpi slt, %add3A_314, %lt3A_315 : i32
      %convert_element_type3A_317 = arith.extui %lt3A_316 : i1 to i32
      %cond3A_318 = arith.constant 0 : i32
      %cond3A_319 = arith.cmpi ne, %convert_element_type3A_317, %cond3A_318 : i32
      scf.if %cond3A_319 {
        %ge3A = arith.constant 8 : i32
        %ge3A_576 = arith.cmpi sge, %add3A_307, %ge3A : i32
        %convert_element_type3A_577 = arith.extui %ge3A_576 : i1 to i32
        %cond3A_578 = arith.constant 0 : i32
        %cond3A_579 = arith.cmpi ne, %convert_element_type3A_577, %cond3A_578 : i32
        scf.if %cond3A_579 {
          %sub3A = arith.constant 8 : i32
          %sub3A_587 = arith.subi %add3A_307, %sub3A : i32
          %mul3A_588 = arith.constant 16 : i32
          %mul3A_589 = arith.muli %sub3A_587, %mul3A_588 : i32
          %dma_wait3A_590 = arith.constant 0 : i32
          %dma_wait3A_591 = arith.constant 0 : i32
          %dma_wait3A_592 = tpu.memref_slice %arg2[%mul3A_589, %dma_wait3A_590, %dma_wait3A_591] : memref<1024x50x512xf32, #tpu.memory_space<hbm>> -> memref<16x50x512xf32, #tpu.memory_space<hbm>>
          tpu.wait_dma2 semaphore(%arg50 : memref<!tpu.dma_semaphore, #tpu.memory_space<semaphore_mem>>) src(%arg18 : memref<16x50x512xf32, #tpu.memory_space<vmem>>) dst(%dma_wait3A_592 : memref<16x50x512xf32, #tpu.memory_space<hbm>>)
        } else {
        }
        %add3A_580 = arith.constant 8 : i32
        %add3A_581 = arith.addi %add3A_307, %add3A_580 : i32
        %mul3A_582 = arith.constant 16 : i32
        %mul3A_583 = arith.muli %add3A_581, %mul3A_582 : i32
        %dma_start3A_584 = arith.constant 0 : i32
        %dma_start3A_585 = arith.constant 0 : i32
        %dma_start3A_586 = tpu.memref_slice %arg1[%mul3A_583, %dma_start3A_584, %dma_start3A_585] : memref<1024x50x512xf32, #tpu.memory_space<hbm>> -> memref<16x50x512xf32, #tpu.memory_space<hbm>>
        tpu.enqueue_dma source(%dma_start3A_586 : memref<16x50x512xf32, #tpu.memory_space<hbm>>) target(%arg18 : memref<16x50x512xf32, #tpu.memory_space<vmem>>) target_semaphore(%arg34 : memref<!tpu.dma_semaphore, #tpu.memory_space<semaphore_mem>>)
      } else {
      }
      %get3A_320 = arith.constant 0 : index
      %get3A_321 = arith.constant 0 : index
      %get3A_322 = arith.constant 0 : index
      %get3A_323 = vector.load %arg10[%get3A_320, %get3A_321, %get3A_322] : memref<16x50x512xf32, #tpu.memory_space<vmem>>, vector<16x50x512xf32>
      %broadcast_in_dim3A_324 = vector.shape_cast %get3A_32 : vector<50x512xf32> to vector<1x50x512xf32>
      %add3A_325 = vector.broadcast %broadcast_in_dim3A_324 : vector<1x50x512xf32> to vector<16x50x512xf32>
      %add3A_326 = arith.addf %get3A_323, %add3A_325 : vector<16x50x512xf32>
      %swap3A_327 = arith.constant 0 : index
      %swap3A_328 = arith.constant 0 : index
      %swap3A_329 = arith.constant 0 : index
      %swap3A_330 = vector.load %arg10[%swap3A_327, %swap3A_328, %swap3A_329] : memref<16x50x512xf32, #tpu.memory_space<vmem>>, vector<16x50x512xf32>
      tpu.vector_store %arg10[%swap3A_327, %swap3A_328, %swap3A_329], %add3A_326 {strides = array<i32>} : memref<16x50x512xf32, #tpu.memory_space<vmem>>, vector<16x50x512xf32>,
      %mul3A_331 = arith.constant 16 : i32
      %mul3A_332 = arith.muli %add3A_307, %mul3A_331 : i32
      %dma_start3A_333 = arith.constant 0 : i32
      %dma_start3A_334 = arith.constant 0 : i32
      %dma_start3A_335 = tpu.memref_slice %arg2[%mul3A_332, %dma_start3A_333, %dma_start3A_334] : memref<1024x50x512xf32, #tpu.memory_space<hbm>> -> memref<16x50x512xf32, #tpu.memory_space<hbm>>
      tpu.enqueue_dma source(%arg10 : memref<16x50x512xf32, #tpu.memory_space<vmem>>) target(%dma_start3A_335 : memref<16x50x512xf32, #tpu.memory_space<hbm>>) target_semaphore(%arg42 : memref<!tpu.dma_semaphore, #tpu.memory_space<semaphore_mem>>)
      %add3A_336 = arith.constant 8 : i32
      %add3A_337 = arith.addi %mul3A_101, %add3A_336 : i32
      %mul3A_338 = arith.constant 16 : i32
      %mul3A_339 = arith.muli %add3A_337, %mul3A_338 : i32
      %dma_wait3A_340 = arith.constant 0 : i32
      %dma_wait3A_341 = arith.constant 0 : i32
      %dma_wait3A_342 = tpu.memref_slice %arg1[%mul3A_339, %dma_wait3A_340, %dma_wait3A_341] : memref<1024x50x512xf32, #tpu.memory_space<hbm>> -> memref<16x50x512xf32, #tpu.memory_space<hbm>>
      tpu.wait_dma2 semaphore(%arg27 : memref<!tpu.dma_semaphore, #tpu.memory_space<semaphore_mem>>) src(%dma_wait3A_342 : memref<16x50x512xf32, #tpu.memory_space<hbm>>) dst(%arg11 : memref<16x50x512xf32, #tpu.memory_space<vmem>>)
      %add3A_343 = arith.constant 8 : i32
      %add3A_344 = arith.addi %add3A_337, %add3A_343 : i32
      %lt3A_345 = arith.constant 64 : i32
      %lt3A_346 = arith.cmpi slt, %add3A_344, %lt3A_345 : i32
      %convert_element_type3A_347 = arith.extui %lt3A_346 : i1 to i32
      %cond3A_348 = arith.constant 0 : i32
      %cond3A_349 = arith.cmpi ne, %convert_element_type3A_347, %cond3A_348 : i32
      scf.if %cond3A_349 {
        %ge3A = arith.constant 8 : i32
        %ge3A_576 = arith.cmpi sge, %add3A_337, %ge3A : i32
        %convert_element_type3A_577 = arith.extui %ge3A_576 : i1 to i32
        %cond3A_578 = arith.constant 0 : i32
        %cond3A_579 = arith.cmpi ne, %convert_element_type3A_577, %cond3A_578 : i32
        scf.if %cond3A_579 {
          %sub3A = arith.constant 8 : i32
          %sub3A_587 = arith.subi %add3A_337, %sub3A : i32
          %mul3A_588 = arith.constant 16 : i32
          %mul3A_589 = arith.muli %sub3A_587, %mul3A_588 : i32
          %dma_wait3A_590 = arith.constant 0 : i32
          %dma_wait3A_591 = arith.constant 0 : i32
          %dma_wait3A_592 = tpu.memref_slice %arg2[%mul3A_589, %dma_wait3A_590, %dma_wait3A_591] : memref<1024x50x512xf32, #tpu.memory_space<hbm>> -> memref<16x50x512xf32, #tpu.memory_space<hbm>>
          tpu.wait_dma2 semaphore(%arg35 : memref<!tpu.dma_semaphore, #tpu.memory_space<semaphore_mem>>) src(%arg3 : memref<16x50x512xf32, #tpu.memory_space<vmem>>) dst(%dma_wait3A_592 : memref<16x50x512xf32, #tpu.memory_space<hbm>>)
        } else {
        }
        %add3A_580 = arith.constant 8 : i32
        %add3A_581 = arith.addi %add3A_337, %add3A_580 : i32
        %mul3A_582 = arith.constant 16 : i32
        %mul3A_583 = arith.muli %add3A_581, %mul3A_582 : i32
        %dma_start3A_584 = arith.constant 0 : i32
        %dma_start3A_585 = arith.constant 0 : i32
        %dma_start3A_586 = tpu.memref_slice %arg1[%mul3A_583, %dma_start3A_584, %dma_start3A_585] : memref<1024x50x512xf32, #tpu.memory_space<hbm>> -> memref<16x50x512xf32, #tpu.memory_space<hbm>>
        tpu.enqueue_dma source(%dma_start3A_586 : memref<16x50x512xf32, #tpu.memory_space<hbm>>) target(%arg3 : memref<16x50x512xf32, #tpu.memory_space<vmem>>) target_semaphore(%arg19 : memref<!tpu.dma_semaphore, #tpu.memory_space<semaphore_mem>>)
      } else {
      }
      %get3A_350 = arith.constant 0 : index
      %get3A_351 = arith.constant 0 : index
      %get3A_352 = arith.constant 0 : index
      %get3A_353 = vector.load %arg11[%get3A_350, %get3A_351, %get3A_352] : memref<16x50x512xf32, #tpu.memory_space<vmem>>, vector<16x50x512xf32>
      %broadcast_in_dim3A_354 = vector.shape_cast %get3A_32 : vector<50x512xf32> to vector<1x50x512xf32>
      %add3A_355 = vector.broadcast %broadcast_in_dim3A_354 : vector<1x50x512xf32> to vector<16x50x512xf32>
      %add3A_356 = arith.addf %get3A_353, %add3A_355 : vector<16x50x512xf32>
      %swap3A_357 = arith.constant 0 : index
      %swap3A_358 = arith.constant 0 : index
      %swap3A_359 = arith.constant 0 : index
      %swap3A_360 = vector.load %arg11[%swap3A_357, %swap3A_358, %swap3A_359] : memref<16x50x512xf32, #tpu.memory_space<vmem>>, vector<16x50x512xf32>
      tpu.vector_store %arg11[%swap3A_357, %swap3A_358, %swap3A_359], %add3A_356 {strides = array<i32>} : memref<16x50x512xf32, #tpu.memory_space<vmem>>, vector<16x50x512xf32>,
      %mul3A_361 = arith.constant 16 : i32
      %mul3A_362 = arith.muli %add3A_337, %mul3A_361 : i32
      %dma_start3A_363 = arith.constant 0 : i32
      %dma_start3A_364 = arith.constant 0 : i32
      %dma_start3A_365 = tpu.memref_slice %arg2[%mul3A_362, %dma_start3A_363, %dma_start3A_364] : memref<1024x50x512xf32, #tpu.memory_space<hbm>> -> memref<16x50x512xf32, #tpu.memory_space<hbm>>
      tpu.enqueue_dma source(%arg11 : memref<16x50x512xf32, #tpu.memory_space<vmem>>) target(%dma_start3A_365 : memref<16x50x512xf32, #tpu.memory_space<hbm>>) target_semaphore(%arg43 : memref<!tpu.dma_semaphore, #tpu.memory_space<semaphore_mem>>)
      %add3A_366 = arith.constant 9 : i32
      %add3A_367 = arith.addi %mul3A_101, %add3A_366 : i32
      %mul3A_368 = arith.constant 16 : i32
      %mul3A_369 = arith.muli %add3A_367, %mul3A_368 : i32
      %dma_wait3A_370 = arith.constant 0 : i32
      %dma_wait3A_371 = arith.constant 0 : i32
      %dma_wait3A_372 = tpu.memref_slice %arg1[%mul3A_369, %dma_wait3A_370, %dma_wait3A_371] : memref<1024x50x512xf32, #tpu.memory_space<hbm>> -> memref<16x50x512xf32, #tpu.memory_space<hbm>>
      tpu.wait_dma2 semaphore(%arg28 : memref<!tpu.dma_semaphore, #tpu.memory_space<semaphore_mem>>) src(%dma_wait3A_372 : memref<16x50x512xf32, #tpu.memory_space<hbm>>) dst(%arg12 : memref<16x50x512xf32, #tpu.memory_space<vmem>>)
      %add3A_373 = arith.constant 8 : i32
      %add3A_374 = arith.addi %add3A_367, %add3A_373 : i32
      %lt3A_375 = arith.constant 64 : i32
      %lt3A_376 = arith.cmpi slt, %add3A_374, %lt3A_375 : i32
      %convert_element_type3A_377 = arith.extui %lt3A_376 : i1 to i32
      %cond3A_378 = arith.constant 0 : i32
      %cond3A_379 = arith.cmpi ne, %convert_element_type3A_377, %cond3A_378 : i32
      scf.if %cond3A_379 {
        %ge3A = arith.constant 8 : i32
        %ge3A_576 = arith.cmpi sge, %add3A_367, %ge3A : i32
        %convert_element_type3A_577 = arith.extui %ge3A_576 : i1 to i32
        %cond3A_578 = arith.constant 0 : i32
        %cond3A_579 = arith.cmpi ne, %convert_element_type3A_577, %cond3A_578 : i32
        scf.if %cond3A_579 {
          %sub3A = arith.constant 8 : i32
          %sub3A_587 = arith.subi %add3A_367, %sub3A : i32
          %mul3A_588 = arith.constant 16 : i32
          %mul3A_589 = arith.muli %sub3A_587, %mul3A_588 : i32
          %dma_wait3A_590 = arith.constant 0 : i32
          %dma_wait3A_591 = arith.constant 0 : i32
          %dma_wait3A_592 = tpu.memref_slice %arg2[%mul3A_589, %dma_wait3A_590, %dma_wait3A_591] : memref<1024x50x512xf32, #tpu.memory_space<hbm>> -> memref<16x50x512xf32, #tpu.memory_space<hbm>>
          tpu.wait_dma2 semaphore(%arg36 : memref<!tpu.dma_semaphore, #tpu.memory_space<semaphore_mem>>) src(%arg4 : memref<16x50x512xf32, #tpu.memory_space<vmem>>) dst(%dma_wait3A_592 : memref<16x50x512xf32, #tpu.memory_space<hbm>>)
        } else {
        }
        %add3A_580 = arith.constant 8 : i32
        %add3A_581 = arith.addi %add3A_367, %add3A_580 : i32
        %mul3A_582 = arith.constant 16 : i32
        %mul3A_583 = arith.muli %add3A_581, %mul3A_582 : i32
        %dma_start3A_584 = arith.constant 0 : i32
        %dma_start3A_585 = arith.constant 0 : i32
        %dma_start3A_586 = tpu.memref_slice %arg1[%mul3A_583, %dma_start3A_584, %dma_start3A_585] : memref<1024x50x512xf32, #tpu.memory_space<hbm>> -> memref<16x50x512xf32, #tpu.memory_space<hbm>>
        tpu.enqueue_dma source(%dma_start3A_586 : memref<16x50x512xf32, #tpu.memory_space<hbm>>) target(%arg4 : memref<16x50x512xf32, #tpu.memory_space<vmem>>) target_semaphore(%arg20 : memref<!tpu.dma_semaphore, #tpu.memory_space<semaphore_mem>>)
      } else {
      }
      %get3A_380 = arith.constant 0 : index
      %get3A_381 = arith.constant 0 : index
      %get3A_382 = arith.constant 0 : index
      %get3A_383 = vector.load %arg12[%get3A_380, %get3A_381, %get3A_382] : memref<16x50x512xf32, #tpu.memory_space<vmem>>, vector<16x50x512xf32>
      %broadcast_in_dim3A_384 = vector.shape_cast %get3A_32 : vector<50x512xf32> to vector<1x50x512xf32>
      %add3A_385 = vector.broadcast %broadcast_in_dim3A_384 : vector<1x50x512xf32> to vector<16x50x512xf32>
      %add3A_386 = arith.addf %get3A_383, %add3A_385 : vector<16x50x512xf32>
      %swap3A_387 = arith.constant 0 : index
      %swap3A_388 = arith.constant 0 : index
      %swap3A_389 = arith.constant 0 : index
      %swap3A_390 = vector.load %arg12[%swap3A_387, %swap3A_388, %swap3A_389] : memref<16x50x512xf32, #tpu.memory_space<vmem>>, vector<16x50x512xf32>
      tpu.vector_store %arg12[%swap3A_387, %swap3A_388, %swap3A_389], %add3A_386 {strides = array<i32>} : memref<16x50x512xf32, #tpu.memory_space<vmem>>, vector<16x50x512xf32>,
      %mul3A_391 = arith.constant 16 : i32
      %mul3A_392 = arith.muli %add3A_367, %mul3A_391 : i32
      %dma_start3A_393 = arith.constant 0 : i32
      %dma_start3A_394 = arith.constant 0 : i32
      %dma_start3A_395 = tpu.memref_slice %arg2[%mul3A_392, %dma_start3A_393, %dma_start3A_394] : memref<1024x50x512xf32, #tpu.memory_space<hbm>> -> memref<16x50x512xf32, #tpu.memory_space<hbm>>
      tpu.enqueue_dma source(%arg12 : memref<16x50x512xf32, #tpu.memory_space<vmem>>) target(%dma_start3A_395 : memref<16x50x512xf32, #tpu.memory_space<hbm>>) target_semaphore(%arg44 : memref<!tpu.dma_semaphore, #tpu.memory_space<semaphore_mem>>)
      %add3A_396 = arith.constant 10 : i32
      %add3A_397 = arith.addi %mul3A_101, %add3A_396 : i32
      %mul3A_398 = arith.constant 16 : i32
      %mul3A_399 = arith.muli %add3A_397, %mul3A_398 : i32
      %dma_wait3A_400 = arith.constant 0 : i32
      %dma_wait3A_401 = arith.constant 0 : i32
      %dma_wait3A_402 = tpu.memref_slice %arg1[%mul3A_399, %dma_wait3A_400, %dma_wait3A_401] : memref<1024x50x512xf32, #tpu.memory_space<hbm>> -> memref<16x50x512xf32, #tpu.memory_space<hbm>>
      tpu.wait_dma2 semaphore(%arg29 : memref<!tpu.dma_semaphore, #tpu.memory_space<semaphore_mem>>) src(%dma_wait3A_402 : memref<16x50x512xf32, #tpu.memory_space<hbm>>) dst(%arg13 : memref<16x50x512xf32, #tpu.memory_space<vmem>>)
      %add3A_403 = arith.constant 8 : i32
      %add3A_404 = arith.addi %add3A_397, %add3A_403 : i32
      %lt3A_405 = arith.constant 64 : i32
      %lt3A_406 = arith.cmpi slt, %add3A_404, %lt3A_405 : i32
      %convert_element_type3A_407 = arith.extui %lt3A_406 : i1 to i32
      %cond3A_408 = arith.constant 0 : i32
      %cond3A_409 = arith.cmpi ne, %convert_element_type3A_407, %cond3A_408 : i32
      scf.if %cond3A_409 {
        %ge3A = arith.constant 8 : i32
        %ge3A_576 = arith.cmpi sge, %add3A_397, %ge3A : i32
        %convert_element_type3A_577 = arith.extui %ge3A_576 : i1 to i32
        %cond3A_578 = arith.constant 0 : i32
        %cond3A_579 = arith.cmpi ne, %convert_element_type3A_577, %cond3A_578 : i32
        scf.if %cond3A_579 {
          %sub3A = arith.constant 8 : i32
          %sub3A_587 = arith.subi %add3A_397, %sub3A : i32
          %mul3A_588 = arith.constant 16 : i32
          %mul3A_589 = arith.muli %sub3A_587, %mul3A_588 : i32
          %dma_wait3A_590 = arith.constant 0 : i32
          %dma_wait3A_591 = arith.constant 0 : i32
          %dma_wait3A_592 = tpu.memref_slice %arg2[%mul3A_589, %dma_wait3A_590, %dma_wait3A_591] : memref<1024x50x512xf32, #tpu.memory_space<hbm>> -> memref<16x50x512xf32, #tpu.memory_space<hbm>>
          tpu.wait_dma2 semaphore(%arg37 : memref<!tpu.dma_semaphore, #tpu.memory_space<semaphore_mem>>) src(%arg5 : memref<16x50x512xf32, #tpu.memory_space<vmem>>) dst(%dma_wait3A_592 : memref<16x50x512xf32, #tpu.memory_space<hbm>>)
        } else {
        }
        %add3A_580 = arith.constant 8 : i32
        %add3A_581 = arith.addi %add3A_397, %add3A_580 : i32
        %mul3A_582 = arith.constant 16 : i32
        %mul3A_583 = arith.muli %add3A_581, %mul3A_582 : i32
        %dma_start3A_584 = arith.constant 0 : i32
        %dma_start3A_585 = arith.constant 0 : i32
        %dma_start3A_586 = tpu.memref_slice %arg1[%mul3A_583, %dma_start3A_584, %dma_start3A_585] : memref<1024x50x512xf32, #tpu.memory_space<hbm>> -> memref<16x50x512xf32, #tpu.memory_space<hbm>>
        tpu.enqueue_dma source(%dma_start3A_586 : memref<16x50x512xf32, #tpu.memory_space<hbm>>) target(%arg5 : memref<16x50x512xf32, #tpu.memory_space<vmem>>) target_semaphore(%arg21 : memref<!tpu.dma_semaphore, #tpu.memory_space<semaphore_mem>>)
      } else {
      }
      %get3A_410 = arith.constant 0 : index
      %get3A_411 = arith.constant 0 : index
      %get3A_412 = arith.constant 0 : index
      %get3A_413 = vector.load %arg13[%get3A_410, %get3A_411, %get3A_412] : memref<16x50x512xf32, #tpu.memory_space<vmem>>, vector<16x50x512xf32>
      %broadcast_in_dim3A_414 = vector.shape_cast %get3A_32 : vector<50x512xf32> to vector<1x50x512xf32>
      %add3A_415 = vector.broadcast %broadcast_in_dim3A_414 : vector<1x50x512xf32> to vector<16x50x512xf32>
      %add3A_416 = arith.addf %get3A_413, %add3A_415 : vector<16x50x512xf32>
      %swap3A_417 = arith.constant 0 : index
      %swap3A_418 = arith.constant 0 : index
      %swap3A_419 = arith.constant 0 : index
      %swap3A_420 = vector.load %arg13[%swap3A_417, %swap3A_418, %swap3A_419] : memref<16x50x512xf32, #tpu.memory_space<vmem>>, vector<16x50x512xf32>
      tpu.vector_store %arg13[%swap3A_417, %swap3A_418, %swap3A_419], %add3A_416 {strides = array<i32>} : memref<16x50x512xf32, #tpu.memory_space<vmem>>, vector<16x50x512xf32>,
      %mul3A_421 = arith.constant 16 : i32
      %mul3A_422 = arith.muli %add3A_397, %mul3A_421 : i32
      %dma_start3A_423 = arith.constant 0 : i32
      %dma_start3A_424 = arith.constant 0 : i32
      %dma_start3A_425 = tpu.memref_slice %arg2[%mul3A_422, %dma_start3A_423, %dma_start3A_424] : memref<1024x50x512xf32, #tpu.memory_space<hbm>> -> memref<16x50x512xf32, #tpu.memory_space<hbm>>
      tpu.enqueue_dma source(%arg13 : memref<16x50x512xf32, #tpu.memory_space<vmem>>) target(%dma_start3A_425 : memref<16x50x512xf32, #tpu.memory_space<hbm>>) target_semaphore(%arg45 : memref<!tpu.dma_semaphore, #tpu.memory_space<semaphore_mem>>)
      %add3A_426 = arith.constant 11 : i32
      %add3A_427 = arith.addi %mul3A_101, %add3A_426 : i32
      %mul3A_428 = arith.constant 16 : i32
      %mul3A_429 = arith.muli %add3A_427, %mul3A_428 : i32
      %dma_wait3A_430 = arith.constant 0 : i32
      %dma_wait3A_431 = arith.constant 0 : i32
      %dma_wait3A_432 = tpu.memref_slice %arg1[%mul3A_429, %dma_wait3A_430, %dma_wait3A_431] : memref<1024x50x512xf32, #tpu.memory_space<hbm>> -> memref<16x50x512xf32, #tpu.memory_space<hbm>>
      tpu.wait_dma2 semaphore(%arg30 : memref<!tpu.dma_semaphore, #tpu.memory_space<semaphore_mem>>) src(%dma_wait3A_432 : memref<16x50x512xf32, #tpu.memory_space<hbm>>) dst(%arg14 : memref<16x50x512xf32, #tpu.memory_space<vmem>>)
      %add3A_433 = arith.constant 8 : i32
      %add3A_434 = arith.addi %add3A_427, %add3A_433 : i32
      %lt3A_435 = arith.constant 64 : i32
      %lt3A_436 = arith.cmpi slt, %add3A_434, %lt3A_435 : i32
      %convert_element_type3A_437 = arith.extui %lt3A_436 : i1 to i32
      %cond3A_438 = arith.constant 0 : i32
      %cond3A_439 = arith.cmpi ne, %convert_element_type3A_437, %cond3A_438 : i32
      scf.if %cond3A_439 {
        %ge3A = arith.constant 8 : i32
        %ge3A_576 = arith.cmpi sge, %add3A_427, %ge3A : i32
        %convert_element_type3A_577 = arith.extui %ge3A_576 : i1 to i32
        %cond3A_578 = arith.constant 0 : i32
        %cond3A_579 = arith.cmpi ne, %convert_element_type3A_577, %cond3A_578 : i32
        scf.if %cond3A_579 {
          %sub3A = arith.constant 8 : i32
          %sub3A_587 = arith.subi %add3A_427, %sub3A : i32
          %mul3A_588 = arith.constant 16 : i32
          %mul3A_589 = arith.muli %sub3A_587, %mul3A_588 : i32
          %dma_wait3A_590 = arith.constant 0 : i32
          %dma_wait3A_591 = arith.constant 0 : i32
          %dma_wait3A_592 = tpu.memref_slice %arg2[%mul3A_589, %dma_wait3A_590, %dma_wait3A_591] : memref<1024x50x512xf32, #tpu.memory_space<hbm>> -> memref<16x50x512xf32, #tpu.memory_space<hbm>>
          tpu.wait_dma2 semaphore(%arg38 : memref<!tpu.dma_semaphore, #tpu.memory_space<semaphore_mem>>) src(%arg6 : memref<16x50x512xf32, #tpu.memory_space<vmem>>) dst(%dma_wait3A_592 : memref<16x50x512xf32, #tpu.memory_space<hbm>>)
        } else {
        }
        %add3A_580 = arith.constant 8 : i32
        %add3A_581 = arith.addi %add3A_427, %add3A_580 : i32
        %mul3A_582 = arith.constant 16 : i32
        %mul3A_583 = arith.muli %add3A_581, %mul3A_582 : i32
        %dma_start3A_584 = arith.constant 0 : i32
        %dma_start3A_585 = arith.constant 0 : i32
        %dma_start3A_586 = tpu.memref_slice %arg1[%mul3A_583, %dma_start3A_584, %dma_start3A_585] : memref<1024x50x512xf32, #tpu.memory_space<hbm>> -> memref<16x50x512xf32, #tpu.memory_space<hbm>>
        tpu.enqueue_dma source(%dma_start3A_586 : memref<16x50x512xf32, #tpu.memory_space<hbm>>) target(%arg6 : memref<16x50x512xf32, #tpu.memory_space<vmem>>) target_semaphore(%arg22 : memref<!tpu.dma_semaphore, #tpu.memory_space<semaphore_mem>>)
      } else {
      }
      %get3A_440 = arith.constant 0 : index
      %get3A_441 = arith.constant 0 : index
      %get3A_442 = arith.constant 0 : index
      %get3A_443 = vector.load %arg14[%get3A_440, %get3A_441, %get3A_442] : memref<16x50x512xf32, #tpu.memory_space<vmem>>, vector<16x50x512xf32>
      %broadcast_in_dim3A_444 = vector.shape_cast %get3A_32 : vector<50x512xf32> to vector<1x50x512xf32>
      %add3A_445 = vector.broadcast %broadcast_in_dim3A_444 : vector<1x50x512xf32> to vector<16x50x512xf32>
      %add3A_446 = arith.addf %get3A_443, %add3A_445 : vector<16x50x512xf32>
      %swap3A_447 = arith.constant 0 : index
      %swap3A_448 = arith.constant 0 : index
      %swap3A_449 = arith.constant 0 : index
      %swap3A_450 = vector.load %arg14[%swap3A_447, %swap3A_448, %swap3A_449] : memref<16x50x512xf32, #tpu.memory_space<vmem>>, vector<16x50x512xf32>
      tpu.vector_store %arg14[%swap3A_447, %swap3A_448, %swap3A_449], %add3A_446 {strides = array<i32>} : memref<16x50x512xf32, #tpu.memory_space<vmem>>, vector<16x50x512xf32>,
      %mul3A_451 = arith.constant 16 : i32
      %mul3A_452 = arith.muli %add3A_427, %mul3A_451 : i32
      %dma_start3A_453 = arith.constant 0 : i32
      %dma_start3A_454 = arith.constant 0 : i32
      %dma_start3A_455 = tpu.memref_slice %arg2[%mul3A_452, %dma_start3A_453, %dma_start3A_454] : memref<1024x50x512xf32, #tpu.memory_space<hbm>> -> memref<16x50x512xf32, #tpu.memory_space<hbm>>
      tpu.enqueue_dma source(%arg14 : memref<16x50x512xf32, #tpu.memory_space<vmem>>) target(%dma_start3A_455 : memref<16x50x512xf32, #tpu.memory_space<hbm>>) target_semaphore(%arg46 : memref<!tpu.dma_semaphore, #tpu.memory_space<semaphore_mem>>)
      %add3A_456 = arith.constant 12 : i32
      %add3A_457 = arith.addi %mul3A_101, %add3A_456 : i32
      %mul3A_458 = arith.constant 16 : i32
      %mul3A_459 = arith.muli %add3A_457, %mul3A_458 : i32
      %dma_wait3A_460 = arith.constant 0 : i32
      %dma_wait3A_461 = arith.constant 0 : i32
      %dma_wait3A_462 = tpu.memref_slice %arg1[%mul3A_459, %dma_wait3A_460, %dma_wait3A_461] : memref<1024x50x512xf32, #tpu.memory_space<hbm>> -> memref<16x50x512xf32, #tpu.memory_space<hbm>>
      tpu.wait_dma2 semaphore(%arg31 : memref<!tpu.dma_semaphore, #tpu.memory_space<semaphore_mem>>) src(%dma_wait3A_462 : memref<16x50x512xf32, #tpu.memory_space<hbm>>) dst(%arg15 : memref<16x50x512xf32, #tpu.memory_space<vmem>>)
      %add3A_463 = arith.constant 8 : i32
      %add3A_464 = arith.addi %add3A_457, %add3A_463 : i32
      %lt3A_465 = arith.constant 64 : i32
      %lt3A_466 = arith.cmpi slt, %add3A_464, %lt3A_465 : i32
      %convert_element_type3A_467 = arith.extui %lt3A_466 : i1 to i32
      %cond3A_468 = arith.constant 0 : i32
      %cond3A_469 = arith.cmpi ne, %convert_element_type3A_467, %cond3A_468 : i32
      scf.if %cond3A_469 {
        %ge3A = arith.constant 8 : i32
        %ge3A_576 = arith.cmpi sge, %add3A_457, %ge3A : i32
        %convert_element_type3A_577 = arith.extui %ge3A_576 : i1 to i32
        %cond3A_578 = arith.constant 0 : i32
        %cond3A_579 = arith.cmpi ne, %convert_element_type3A_577, %cond3A_578 : i32
        scf.if %cond3A_579 {
          %sub3A = arith.constant 8 : i32
          %sub3A_587 = arith.subi %add3A_457, %sub3A : i32
          %mul3A_588 = arith.constant 16 : i32
          %mul3A_589 = arith.muli %sub3A_587, %mul3A_588 : i32
          %dma_wait3A_590 = arith.constant 0 : i32
          %dma_wait3A_591 = arith.constant 0 : i32
          %dma_wait3A_592 = tpu.memref_slice %arg2[%mul3A_589, %dma_wait3A_590, %dma_wait3A_591] : memref<1024x50x512xf32, #tpu.memory_space<hbm>> -> memref<16x50x512xf32, #tpu.memory_space<hbm>>
          tpu.wait_dma2 semaphore(%arg39 : memref<!tpu.dma_semaphore, #tpu.memory_space<semaphore_mem>>) src(%arg7 : memref<16x50x512xf32, #tpu.memory_space<vmem>>) dst(%dma_wait3A_592 : memref<16x50x512xf32, #tpu.memory_space<hbm>>)
        } else {
        }
        %add3A_580 = arith.constant 8 : i32
        %add3A_581 = arith.addi %add3A_457, %add3A_580 : i32
        %mul3A_582 = arith.constant 16 : i32
        %mul3A_583 = arith.muli %add3A_581, %mul3A_582 : i32
        %dma_start3A_584 = arith.constant 0 : i32
        %dma_start3A_585 = arith.constant 0 : i32
        %dma_start3A_586 = tpu.memref_slice %arg1[%mul3A_583, %dma_start3A_584, %dma_start3A_585] : memref<1024x50x512xf32, #tpu.memory_space<hbm>> -> memref<16x50x512xf32, #tpu.memory_space<hbm>>
        tpu.enqueue_dma source(%dma_start3A_586 : memref<16x50x512xf32, #tpu.memory_space<hbm>>) target(%arg7 : memref<16x50x512xf32, #tpu.memory_space<vmem>>) target_semaphore(%arg23 : memref<!tpu.dma_semaphore, #tpu.memory_space<semaphore_mem>>)
      } else {
      }
      %get3A_470 = arith.constant 0 : index
      %get3A_471 = arith.constant 0 : index
      %get3A_472 = arith.constant 0 : index
      %get3A_473 = vector.load %arg15[%get3A_470, %get3A_471, %get3A_472] : memref<16x50x512xf32, #tpu.memory_space<vmem>>, vector<16x50x512xf32>
      %broadcast_in_dim3A_474 = vector.shape_cast %get3A_32 : vector<50x512xf32> to vector<1x50x512xf32>
      %add3A_475 = vector.broadcast %broadcast_in_dim3A_474 : vector<1x50x512xf32> to vector<16x50x512xf32>
      %add3A_476 = arith.addf %get3A_473, %add3A_475 : vector<16x50x512xf32>
      %swap3A_477 = arith.constant 0 : index
      %swap3A_478 = arith.constant 0 : index
      %swap3A_479 = arith.constant 0 : index
      %swap3A_480 = vector.load %arg15[%swap3A_477, %swap3A_478, %swap3A_479] : memref<16x50x512xf32, #tpu.memory_space<vmem>>, vector<16x50x512xf32>
      tpu.vector_store %arg15[%swap3A_477, %swap3A_478, %swap3A_479], %add3A_476 {strides = array<i32>} : memref<16x50x512xf32, #tpu.memory_space<vmem>>, vector<16x50x512xf32>,
      %mul3A_481 = arith.constant 16 : i32
      %mul3A_482 = arith.muli %add3A_457, %mul3A_481 : i32
      %dma_start3A_483 = arith.constant 0 : i32
      %dma_start3A_484 = arith.constant 0 : i32
      %dma_start3A_485 = tpu.memref_slice %arg2[%mul3A_482, %dma_start3A_483, %dma_start3A_484] : memref<1024x50x512xf32, #tpu.memory_space<hbm>> -> memref<16x50x512xf32, #tpu.memory_space<hbm>>
      tpu.enqueue_dma source(%arg15 : memref<16x50x512xf32, #tpu.memory_space<vmem>>) target(%dma_start3A_485 : memref<16x50x512xf32, #tpu.memory_space<hbm>>) target_semaphore(%arg47 : memref<!tpu.dma_semaphore, #tpu.memory_space<semaphore_mem>>)
      %add3A_486 = arith.constant 13 : i32
      %add3A_487 = arith.addi %mul3A_101, %add3A_486 : i32
      %mul3A_488 = arith.constant 16 : i32
      %mul3A_489 = arith.muli %add3A_487, %mul3A_488 : i32
      %dma_wait3A_490 = arith.constant 0 : i32
      %dma_wait3A_491 = arith.constant 0 : i32
      %dma_wait3A_492 = tpu.memref_slice %arg1[%mul3A_489, %dma_wait3A_490, %dma_wait3A_491] : memref<1024x50x512xf32, #tpu.memory_space<hbm>> -> memref<16x50x512xf32, #tpu.memory_space<hbm>>
      tpu.wait_dma2 semaphore(%arg32 : memref<!tpu.dma_semaphore, #tpu.memory_space<semaphore_mem>>) src(%dma_wait3A_492 : memref<16x50x512xf32, #tpu.memory_space<hbm>>) dst(%arg16 : memref<16x50x512xf32, #tpu.memory_space<vmem>>)
      %add3A_493 = arith.constant 8 : i32
      %add3A_494 = arith.addi %add3A_487, %add3A_493 : i32
      %lt3A_495 = arith.constant 64 : i32
      %lt3A_496 = arith.cmpi slt, %add3A_494, %lt3A_495 : i32
      %convert_element_type3A_497 = arith.extui %lt3A_496 : i1 to i32
      %cond3A_498 = arith.constant 0 : i32
      %cond3A_499 = arith.cmpi ne, %convert_element_type3A_497, %cond3A_498 : i32
      scf.if %cond3A_499 {
        %ge3A = arith.constant 8 : i32
        %ge3A_576 = arith.cmpi sge, %add3A_487, %ge3A : i32
        %convert_element_type3A_577 = arith.extui %ge3A_576 : i1 to i32
        %cond3A_578 = arith.constant 0 : i32
        %cond3A_579 = arith.cmpi ne, %convert_element_type3A_577, %cond3A_578 : i32
        scf.if %cond3A_579 {
          %sub3A = arith.constant 8 : i32
          %sub3A_587 = arith.subi %add3A_487, %sub3A : i32
          %mul3A_588 = arith.constant 16 : i32
          %mul3A_589 = arith.muli %sub3A_587, %mul3A_588 : i32
          %dma_wait3A_590 = arith.constant 0 : i32
          %dma_wait3A_591 = arith.constant 0 : i32
          %dma_wait3A_592 = tpu.memref_slice %arg2[%mul3A_589, %dma_wait3A_590, %dma_wait3A_591] : memref<1024x50x512xf32, #tpu.memory_space<hbm>> -> memref<16x50x512xf32, #tpu.memory_space<hbm>>
          tpu.wait_dma2 semaphore(%arg40 : memref<!tpu.dma_semaphore, #tpu.memory_space<semaphore_mem>>) src(%arg8 : memref<16x50x512xf32, #tpu.memory_space<vmem>>) dst(%dma_wait3A_592 : memref<16x50x512xf32, #tpu.memory_space<hbm>>)
        } else {
        }
        %add3A_580 = arith.constant 8 : i32
        %add3A_581 = arith.addi %add3A_487, %add3A_580 : i32
        %mul3A_582 = arith.constant 16 : i32
        %mul3A_583 = arith.muli %add3A_581, %mul3A_582 : i32
        %dma_start3A_584 = arith.constant 0 : i32
        %dma_start3A_585 = arith.constant 0 : i32
        %dma_start3A_586 = tpu.memref_slice %arg1[%mul3A_583, %dma_start3A_584, %dma_start3A_585] : memref<1024x50x512xf32, #tpu.memory_space<hbm>> -> memref<16x50x512xf32, #tpu.memory_space<hbm>>
        tpu.enqueue_dma source(%dma_start3A_586 : memref<16x50x512xf32, #tpu.memory_space<hbm>>) target(%arg8 : memref<16x50x512xf32, #tpu.memory_space<vmem>>) target_semaphore(%arg24 : memref<!tpu.dma_semaphore, #tpu.memory_space<semaphore_mem>>)
      } else {
      }
      %get3A_500 = arith.constant 0 : index
      %get3A_501 = arith.constant 0 : index
      %get3A_502 = arith.constant 0 : index
      %get3A_503 = vector.load %arg16[%get3A_500, %get3A_501, %get3A_502] : memref<16x50x512xf32, #tpu.memory_space<vmem>>, vector<16x50x512xf32>
      %broadcast_in_dim3A_504 = vector.shape_cast %get3A_32 : vector<50x512xf32> to vector<1x50x512xf32>
      %add3A_505 = vector.broadcast %broadcast_in_dim3A_504 : vector<1x50x512xf32> to vector<16x50x512xf32>
      %add3A_506 = arith.addf %get3A_503, %add3A_505 : vector<16x50x512xf32>
      %swap3A_507 = arith.constant 0 : index
      %swap3A_508 = arith.constant 0 : index
      %swap3A_509 = arith.constant 0 : index
      %swap3A_510 = vector.load %arg16[%swap3A_507, %swap3A_508, %swap3A_509] : memref<16x50x512xf32, #tpu.memory_space<vmem>>, vector<16x50x512xf32>
      tpu.vector_store %arg16[%swap3A_507, %swap3A_508, %swap3A_509], %add3A_506 {strides = array<i32>} : memref<16x50x512xf32, #tpu.memory_space<vmem>>, vector<16x50x512xf32>,
      %mul3A_511 = arith.constant 16 : i32
      %mul3A_512 = arith.muli %add3A_487, %mul3A_511 : i32
      %dma_start3A_513 = arith.constant 0 : i32
      %dma_start3A_514 = arith.constant 0 : i32
      %dma_start3A_515 = tpu.memref_slice %arg2[%mul3A_512, %dma_start3A_513, %dma_start3A_514] : memref<1024x50x512xf32, #tpu.memory_space<hbm>> -> memref<16x50x512xf32, #tpu.memory_space<hbm>>
      tpu.enqueue_dma source(%arg16 : memref<16x50x512xf32, #tpu.memory_space<vmem>>) target(%dma_start3A_515 : memref<16x50x512xf32, #tpu.memory_space<hbm>>) target_semaphore(%arg48 : memref<!tpu.dma_semaphore, #tpu.memory_space<semaphore_mem>>)
      %add3A_516 = arith.constant 14 : i32
      %add3A_517 = arith.addi %mul3A_101, %add3A_516 : i32
      %mul3A_518 = arith.constant 16 : i32
      %mul3A_519 = arith.muli %add3A_517, %mul3A_518 : i32
      %dma_wait3A_520 = arith.constant 0 : i32
      %dma_wait3A_521 = arith.constant 0 : i32
      %dma_wait3A_522 = tpu.memref_slice %arg1[%mul3A_519, %dma_wait3A_520, %dma_wait3A_521] : memref<1024x50x512xf32, #tpu.memory_space<hbm>> -> memref<16x50x512xf32, #tpu.memory_space<hbm>>
      tpu.wait_dma2 semaphore(%arg33 : memref<!tpu.dma_semaphore, #tpu.memory_space<semaphore_mem>>) src(%dma_wait3A_522 : memref<16x50x512xf32, #tpu.memory_space<hbm>>) dst(%arg17 : memref<16x50x512xf32, #tpu.memory_space<vmem>>)
      %add3A_523 = arith.constant 8 : i32
      %add3A_524 = arith.addi %add3A_517, %add3A_523 : i32
      %lt3A_525 = arith.constant 64 : i32
      %lt3A_526 = arith.cmpi slt, %add3A_524, %lt3A_525 : i32
      %convert_element_type3A_527 = arith.extui %lt3A_526 : i1 to i32
      %cond3A_528 = arith.constant 0 : i32
      %cond3A_529 = arith.cmpi ne, %convert_element_type3A_527, %cond3A_528 : i32
      scf.if %cond3A_529 {
        %ge3A = arith.constant 8 : i32
        %ge3A_576 = arith.cmpi sge, %add3A_517, %ge3A : i32
        %convert_element_type3A_577 = arith.extui %ge3A_576 : i1 to i32
        %cond3A_578 = arith.constant 0 : i32
        %cond3A_579 = arith.cmpi ne, %convert_element_type3A_577, %cond3A_578 : i32
        scf.if %cond3A_579 {
          %sub3A = arith.constant 8 : i32
          %sub3A_587 = arith.subi %add3A_517, %sub3A : i32
          %mul3A_588 = arith.constant 16 : i32
          %mul3A_589 = arith.muli %sub3A_587, %mul3A_588 : i32
          %dma_wait3A_590 = arith.constant 0 : i32
          %dma_wait3A_591 = arith.constant 0 : i32
          %dma_wait3A_592 = tpu.memref_slice %arg2[%mul3A_589, %dma_wait3A_590, %dma_wait3A_591] : memref<1024x50x512xf32, #tpu.memory_space<hbm>> -> memref<16x50x512xf32, #tpu.memory_space<hbm>>
          tpu.wait_dma2 semaphore(%arg41 : memref<!tpu.dma_semaphore, #tpu.memory_space<semaphore_mem>>) src(%arg9 : memref<16x50x512xf32, #tpu.memory_space<vmem>>) dst(%dma_wait3A_592 : memref<16x50x512xf32, #tpu.memory_space<hbm>>)
        } else {
        }
        %add3A_580 = arith.constant 8 : i32
        %add3A_581 = arith.addi %add3A_517, %add3A_580 : i32
        %mul3A_582 = arith.constant 16 : i32
        %mul3A_583 = arith.muli %add3A_581, %mul3A_582 : i32
        %dma_start3A_584 = arith.constant 0 : i32
        %dma_start3A_585 = arith.constant 0 : i32
        %dma_start3A_586 = tpu.memref_slice %arg1[%mul3A_583, %dma_start3A_584, %dma_start3A_585] : memref<1024x50x512xf32, #tpu.memory_space<hbm>> -> memref<16x50x512xf32, #tpu.memory_space<hbm>>
        tpu.enqueue_dma source(%dma_start3A_586 : memref<16x50x512xf32, #tpu.memory_space<hbm>>) target(%arg9 : memref<16x50x512xf32, #tpu.memory_space<vmem>>) target_semaphore(%arg25 : memref<!tpu.dma_semaphore, #tpu.memory_space<semaphore_mem>>)
      } else {
      }
      %get3A_530 = arith.constant 0 : index
      %get3A_531 = arith.constant 0 : index
      %get3A_532 = arith.constant 0 : index
      %get3A_533 = vector.load %arg17[%get3A_530, %get3A_531, %get3A_532] : memref<16x50x512xf32, #tpu.memory_space<vmem>>, vector<16x50x512xf32>
      %broadcast_in_dim3A_534 = vector.shape_cast %get3A_32 : vector<50x512xf32> to vector<1x50x512xf32>
      %add3A_535 = vector.broadcast %broadcast_in_dim3A_534 : vector<1x50x512xf32> to vector<16x50x512xf32>
      %add3A_536 = arith.addf %get3A_533, %add3A_535 : vector<16x50x512xf32>
      %swap3A_537 = arith.constant 0 : index
      %swap3A_538 = arith.constant 0 : index
      %swap3A_539 = arith.constant 0 : index
      %swap3A_540 = vector.load %arg17[%swap3A_537, %swap3A_538, %swap3A_539] : memref<16x50x512xf32, #tpu.memory_space<vmem>>, vector<16x50x512xf32>
      tpu.vector_store %arg17[%swap3A_537, %swap3A_538, %swap3A_539], %add3A_536 {strides = array<i32>} : memref<16x50x512xf32, #tpu.memory_space<vmem>>, vector<16x50x512xf32>,
      %mul3A_541 = arith.constant 16 : i32
      %mul3A_542 = arith.muli %add3A_517, %mul3A_541 : i32
      %dma_start3A_543 = arith.constant 0 : i32
      %dma_start3A_544 = arith.constant 0 : i32
      %dma_start3A_545 = tpu.memref_slice %arg2[%mul3A_542, %dma_start3A_543, %dma_start3A_544] : memref<1024x50x512xf32, #tpu.memory_space<hbm>> -> memref<16x50x512xf32, #tpu.memory_space<hbm>>
      tpu.enqueue_dma source(%arg17 : memref<16x50x512xf32, #tpu.memory_space<vmem>>) target(%dma_start3A_545 : memref<16x50x512xf32, #tpu.memory_space<hbm>>) target_semaphore(%arg49 : memref<!tpu.dma_semaphore, #tpu.memory_space<semaphore_mem>>)
      %add3A_546 = arith.constant 15 : i32
      %add3A_547 = arith.addi %mul3A_101, %add3A_546 : i32
      %mul3A_548 = arith.constant 16 : i32
      %mul3A_549 = arith.muli %add3A_547, %mul3A_548 : i32
      %dma_wait3A_550 = arith.constant 0 : i32
      %dma_wait3A_551 = arith.constant 0 : i32
      %dma_wait3A_552 = tpu.memref_slice %arg1[%mul3A_549, %dma_wait3A_550, %dma_wait3A_551] : memref<1024x50x512xf32, #tpu.memory_space<hbm>> -> memref<16x50x512xf32, #tpu.memory_space<hbm>>
      tpu.wait_dma2 semaphore(%arg34 : memref<!tpu.dma_semaphore, #tpu.memory_space<semaphore_mem>>) src(%dma_wait3A_552 : memref<16x50x512xf32, #tpu.memory_space<hbm>>) dst(%arg18 : memref<16x50x512xf32, #tpu.memory_space<vmem>>)
      %add3A_553 = arith.constant 8 : i32
      %add3A_554 = arith.addi %add3A_547, %add3A_553 : i32
      %lt3A_555 = arith.constant 64 : i32
      %lt3A_556 = arith.cmpi slt, %add3A_554, %lt3A_555 : i32
      %convert_element_type3A_557 = arith.extui %lt3A_556 : i1 to i32
      %cond3A_558 = arith.constant 0 : i32
      %cond3A_559 = arith.cmpi ne, %convert_element_type3A_557, %cond3A_558 : i32
      scf.if %cond3A_559 {
        %ge3A = arith.constant 8 : i32
        %ge3A_576 = arith.cmpi sge, %add3A_547, %ge3A : i32
        %convert_element_type3A_577 = arith.extui %ge3A_576 : i1 to i32
        %cond3A_578 = arith.constant 0 : i32
        %cond3A_579 = arith.cmpi ne, %convert_element_type3A_577, %cond3A_578 : i32
        scf.if %cond3A_579 {
          %sub3A = arith.constant 8 : i32
          %sub3A_587 = arith.subi %add3A_547, %sub3A : i32
          %mul3A_588 = arith.constant 16 : i32
          %mul3A_589 = arith.muli %sub3A_587, %mul3A_588 : i32
          %dma_wait3A_590 = arith.constant 0 : i32
          %dma_wait3A_591 = arith.constant 0 : i32
          %dma_wait3A_592 = tpu.memref_slice %arg2[%mul3A_589, %dma_wait3A_590, %dma_wait3A_591] : memref<1024x50x512xf32, #tpu.memory_space<hbm>> -> memref<16x50x512xf32, #tpu.memory_space<hbm>>
          tpu.wait_dma2 semaphore(%arg42 : memref<!tpu.dma_semaphore, #tpu.memory_space<semaphore_mem>>) src(%arg10 : memref<16x50x512xf32, #tpu.memory_space<vmem>>) dst(%dma_wait3A_592 : memref<16x50x512xf32, #tpu.memory_space<hbm>>)
        } else {
        }
        %add3A_580 = arith.constant 8 : i32
        %add3A_581 = arith.addi %add3A_547, %add3A_580 : i32
        %mul3A_582 = arith.constant 16 : i32
        %mul3A_583 = arith.muli %add3A_581, %mul3A_582 : i32
        %dma_start3A_584 = arith.constant 0 : i32
        %dma_start3A_585 = arith.constant 0 : i32
        %dma_start3A_586 = tpu.memref_slice %arg1[%mul3A_583, %dma_start3A_584, %dma_start3A_585] : memref<1024x50x512xf32, #tpu.memory_space<hbm>> -> memref<16x50x512xf32, #tpu.memory_space<hbm>>
        tpu.enqueue_dma source(%dma_start3A_586 : memref<16x50x512xf32, #tpu.memory_space<hbm>>) target(%arg10 : memref<16x50x512xf32, #tpu.memory_space<vmem>>) target_semaphore(%arg26 : memref<!tpu.dma_semaphore, #tpu.memory_space<semaphore_mem>>)
      } else {
      }
      %get3A_560 = arith.constant 0 : index
      %get3A_561 = arith.constant 0 : index
      %get3A_562 = arith.constant 0 : index
      %get3A_563 = vector.load %arg18[%get3A_560, %get3A_561, %get3A_562] : memref<16x50x512xf32, #tpu.memory_space<vmem>>, vector<16x50x512xf32>
      %broadcast_in_dim3A_564 = vector.shape_cast %get3A_32 : vector<50x512xf32> to vector<1x50x512xf32>
      %add3A_565 = vector.broadcast %broadcast_in_dim3A_564 : vector<1x50x512xf32> to vector<16x50x512xf32>
      %add3A_566 = arith.addf %get3A_563, %add3A_565 : vector<16x50x512xf32>
      %swap3A_567 = arith.constant 0 : index
      %swap3A_568 = arith.constant 0 : index
      %swap3A_569 = arith.constant 0 : index
      %swap3A_570 = vector.load %arg18[%swap3A_567, %swap3A_568, %swap3A_569] : memref<16x50x512xf32, #tpu.memory_space<vmem>>, vector<16x50x512xf32>
      tpu.vector_store %arg18[%swap3A_567, %swap3A_568, %swap3A_569], %add3A_566 {strides = array<i32>} : memref<16x50x512xf32, #tpu.memory_space<vmem>>, vector<16x50x512xf32>,
      %mul3A_571 = arith.constant 16 : i32
      %mul3A_572 = arith.muli %add3A_547, %mul3A_571 : i32
      %dma_start3A_573 = arith.constant 0 : i32
      %dma_start3A_574 = arith.constant 0 : i32
      %dma_start3A_575 = tpu.memref_slice %arg2[%mul3A_572, %dma_start3A_573, %dma_start3A_574] : memref<1024x50x512xf32, #tpu.memory_space<hbm>> -> memref<16x50x512xf32, #tpu.memory_space<hbm>>
      tpu.enqueue_dma source(%arg18 : memref<16x50x512xf32, #tpu.memory_space<vmem>>) target(%dma_start3A_575 : memref<16x50x512xf32, #tpu.memory_space<hbm>>) target_semaphore(%arg50 : memref<!tpu.dma_semaphore, #tpu.memory_space<semaphore_mem>>)
    }
    %scan3A_36 = arith.constant 4 : i32
    %dma_wait3A = arith.constant 768 : i32
    %dma_wait3A_37 = arith.constant 0 : i32
    %dma_wait3A_38 = arith.constant 0 : i32
    %dma_wait3A_39 = tpu.memref_slice %arg2[%dma_wait3A, %dma_wait3A_37, %dma_wait3A_38] : memref<1024x50x512xf32, #tpu.memory_space<hbm>> -> memref<16x50x512xf32, #tpu.memory_space<hbm>>
    tpu.wait_dma2 semaphore(%arg35 : memref<!tpu.dma_semaphore, #tpu.memory_space<semaphore_mem>>) src(%arg3 : memref<16x50x512xf32, #tpu.memory_space<vmem>>) dst(%dma_wait3A_39 : memref<16x50x512xf32, #tpu.memory_space<hbm>>)
    %dma_wait3A_40 = arith.constant 784 : i32
    %dma_wait3A_41 = arith.constant 0 : i32
    %dma_wait3A_42 = arith.constant 0 : i32
    %dma_wait3A_43 = tpu.memref_slice %arg2[%dma_wait3A_40, %dma_wait3A_41, %dma_wait3A_42] : memref<1024x50x512xf32, #tpu.memory_space<hbm>> -> memref<16x50x512xf32, #tpu.memory_space<hbm>>
    tpu.wait_dma2 semaphore(%arg36 : memref<!tpu.dma_semaphore, #tpu.memory_space<semaphore_mem>>) src(%arg4 : memref<16x50x512xf32, #tpu.memory_space<vmem>>) dst(%dma_wait3A_43 : memref<16x50x512xf32, #tpu.memory_space<hbm>>)
    %dma_wait3A_44 = arith.constant 800 : i32
    %dma_wait3A_45 = arith.constant 0 : i32
    %dma_wait3A_46 = arith.constant 0 : i32
    %dma_wait3A_47 = tpu.memref_slice %arg2[%dma_wait3A_44, %dma_wait3A_45, %dma_wait3A_46] : memref<1024x50x512xf32, #tpu.memory_space<hbm>> -> memref<16x50x512xf32, #tpu.memory_space<hbm>>
    tpu.wait_dma2 semaphore(%arg37 : memref<!tpu.dma_semaphore, #tpu.memory_space<semaphore_mem>>) src(%arg5 : memref<16x50x512xf32, #tpu.memory_space<vmem>>) dst(%dma_wait3A_47 : memref<16x50x512xf32, #tpu.memory_space<hbm>>)
    %dma_wait3A_48 = arith.constant 816 : i32
    %dma_wait3A_49 = arith.constant 0 : i32
    %dma_wait3A_50 = arith.constant 0 : i32
    %dma_wait3A_51 = tpu.memref_slice %arg2[%dma_wait3A_48, %dma_wait3A_49, %dma_wait3A_50] : memref<1024x50x512xf32, #tpu.memory_space<hbm>> -> memref<16x50x512xf32, #tpu.memory_space<hbm>>
    tpu.wait_dma2 semaphore(%arg38 : memref<!tpu.dma_semaphore, #tpu.memory_space<semaphore_mem>>) src(%arg6 : memref<16x50x512xf32, #tpu.memory_space<vmem>>) dst(%dma_wait3A_51 : memref<16x50x512xf32, #tpu.memory_space<hbm>>)
    %dma_wait3A_52 = arith.constant 832 : i32
    %dma_wait3A_53 = arith.constant 0 : i32
    %dma_wait3A_54 = arith.constant 0 : i32
    %dma_wait3A_55 = tpu.memref_slice %arg2[%dma_wait3A_52, %dma_wait3A_53, %dma_wait3A_54] : memref<1024x50x512xf32, #tpu.memory_space<hbm>> -> memref<16x50x512xf32, #tpu.memory_space<hbm>>
    tpu.wait_dma2 semaphore(%arg39 : memref<!tpu.dma_semaphore, #tpu.memory_space<semaphore_mem>>) src(%arg7 : memref<16x50x512xf32, #tpu.memory_space<vmem>>) dst(%dma_wait3A_55 : memref<16x50x512xf32, #tpu.memory_space<hbm>>)
    %dma_wait3A_56 = arith.constant 848 : i32
    %dma_wait3A_57 = arith.constant 0 : i32
    %dma_wait3A_58 = arith.constant 0 : i32
    %dma_wait3A_59 = tpu.memref_slice %arg2[%dma_wait3A_56, %dma_wait3A_57, %dma_wait3A_58] : memref<1024x50x512xf32, #tpu.memory_space<hbm>> -> memref<16x50x512xf32, #tpu.memory_space<hbm>>
    tpu.wait_dma2 semaphore(%arg40 : memref<!tpu.dma_semaphore, #tpu.memory_space<semaphore_mem>>) src(%arg8 : memref<16x50x512xf32, #tpu.memory_space<vmem>>) dst(%dma_wait3A_59 : memref<16x50x512xf32, #tpu.memory_space<hbm>>)
    %dma_wait3A_60 = arith.constant 864 : i32
    %dma_wait3A_61 = arith.constant 0 : i32
    %dma_wait3A_62 = arith.constant 0 : i32
    %dma_wait3A_63 = tpu.memref_slice %arg2[%dma_wait3A_60, %dma_wait3A_61, %dma_wait3A_62] : memref<1024x50x512xf32, #tpu.memory_space<hbm>> -> memref<16x50x512xf32, #tpu.memory_space<hbm>>
    tpu.wait_dma2 semaphore(%arg41 : memref<!tpu.dma_semaphore, #tpu.memory_space<semaphore_mem>>) src(%arg9 : memref<16x50x512xf32, #tpu.memory_space<vmem>>) dst(%dma_wait3A_63 : memref<16x50x512xf32, #tpu.memory_space<hbm>>)
    %dma_wait3A_64 = arith.constant 880 : i32
    %dma_wait3A_65 = arith.constant 0 : i32
    %dma_wait3A_66 = arith.constant 0 : i32
    %dma_wait3A_67 = tpu.memref_slice %arg2[%dma_wait3A_64, %dma_wait3A_65, %dma_wait3A_66] : memref<1024x50x512xf32, #tpu.memory_space<hbm>> -> memref<16x50x512xf32, #tpu.memory_space<hbm>>
    tpu.wait_dma2 semaphore(%arg42 : memref<!tpu.dma_semaphore, #tpu.memory_space<semaphore_mem>>) src(%arg10 : memref<16x50x512xf32, #tpu.memory_space<vmem>>) dst(%dma_wait3A_67 : memref<16x50x512xf32, #tpu.memory_space<hbm>>)
    %dma_wait3A_68 = arith.constant 896 : i32
    %dma_wait3A_69 = arith.constant 0 : i32
    %dma_wait3A_70 = arith.constant 0 : i32
    %dma_wait3A_71 = tpu.memref_slice %arg2[%dma_wait3A_68, %dma_wait3A_69, %dma_wait3A_70] : memref<1024x50x512xf32, #tpu.memory_space<hbm>> -> memref<16x50x512xf32, #tpu.memory_space<hbm>>
    tpu.wait_dma2 semaphore(%arg43 : memref<!tpu.dma_semaphore, #tpu.memory_space<semaphore_mem>>) src(%arg11 : memref<16x50x512xf32, #tpu.memory_space<vmem>>) dst(%dma_wait3A_71 : memref<16x50x512xf32, #tpu.memory_space<hbm>>)
    %dma_wait3A_72 = arith.constant 912 : i32
    %dma_wait3A_73 = arith.constant 0 : i32
    %dma_wait3A_74 = arith.constant 0 : i32
    %dma_wait3A_75 = tpu.memref_slice %arg2[%dma_wait3A_72, %dma_wait3A_73, %dma_wait3A_74] : memref<1024x50x512xf32, #tpu.memory_space<hbm>> -> memref<16x50x512xf32, #tpu.memory_space<hbm>>
    tpu.wait_dma2 semaphore(%arg44 : memref<!tpu.dma_semaphore, #tpu.memory_space<semaphore_mem>>) src(%arg12 : memref<16x50x512xf32, #tpu.memory_space<vmem>>) dst(%dma_wait3A_75 : memref<16x50x512xf32, #tpu.memory_space<hbm>>)
    %dma_wait3A_76 = arith.constant 928 : i32
    %dma_wait3A_77 = arith.constant 0 : i32
    %dma_wait3A_78 = arith.constant 0 : i32
    %dma_wait3A_79 = tpu.memref_slice %arg2[%dma_wait3A_76, %dma_wait3A_77, %dma_wait3A_78] : memref<1024x50x512xf32, #tpu.memory_space<hbm>> -> memref<16x50x512xf32, #tpu.memory_space<hbm>>
    tpu.wait_dma2 semaphore(%arg45 : memref<!tpu.dma_semaphore, #tpu.memory_space<semaphore_mem>>) src(%arg13 : memref<16x50x512xf32, #tpu.memory_space<vmem>>) dst(%dma_wait3A_79 : memref<16x50x512xf32, #tpu.memory_space<hbm>>)
    %dma_wait3A_80 = arith.constant 944 : i32
    %dma_wait3A_81 = arith.constant 0 : i32
    %dma_wait3A_82 = arith.constant 0 : i32
    %dma_wait3A_83 = tpu.memref_slice %arg2[%dma_wait3A_80, %dma_wait3A_81, %dma_wait3A_82] : memref<1024x50x512xf32, #tpu.memory_space<hbm>> -> memref<16x50x512xf32, #tpu.memory_space<hbm>>
    tpu.wait_dma2 semaphore(%arg46 : memref<!tpu.dma_semaphore, #tpu.memory_space<semaphore_mem>>) src(%arg14 : memref<16x50x512xf32, #tpu.memory_space<vmem>>) dst(%dma_wait3A_83 : memref<16x50x512xf32, #tpu.memory_space<hbm>>)
    %dma_wait3A_84 = arith.constant 960 : i32
    %dma_wait3A_85 = arith.constant 0 : i32
    %dma_wait3A_86 = arith.constant 0 : i32
    %dma_wait3A_87 = tpu.memref_slice %arg2[%dma_wait3A_84, %dma_wait3A_85, %dma_wait3A_86] : memref<1024x50x512xf32, #tpu.memory_space<hbm>> -> memref<16x50x512xf32, #tpu.memory_space<hbm>>
    tpu.wait_dma2 semaphore(%arg47 : memref<!tpu.dma_semaphore, #tpu.memory_space<semaphore_mem>>) src(%arg15 : memref<16x50x512xf32, #tpu.memory_space<vmem>>) dst(%dma_wait3A_87 : memref<16x50x512xf32, #tpu.memory_space<hbm>>)
    %dma_wait3A_88 = arith.constant 976 : i32
    %dma_wait3A_89 = arith.constant 0 : i32
    %dma_wait3A_90 = arith.constant 0 : i32
    %dma_wait3A_91 = tpu.memref_slice %arg2[%dma_wait3A_88, %dma_wait3A_89, %dma_wait3A_90] : memref<1024x50x512xf32, #tpu.memory_space<hbm>> -> memref<16x50x512xf32, #tpu.memory_space<hbm>>
    tpu.wait_dma2 semaphore(%arg48 : memref<!tpu.dma_semaphore, #tpu.memory_space<semaphore_mem>>) src(%arg16 : memref<16x50x512xf32, #tpu.memory_space<vmem>>) dst(%dma_wait3A_91 : memref<16x50x512xf32, #tpu.memory_space<hbm>>)
    %dma_wait3A_92 = arith.constant 992 : i32
    %dma_wait3A_93 = arith.constant 0 : i32
    %dma_wait3A_94 = arith.constant 0 : i32
    %dma_wait3A_95 = tpu.memref_slice %arg2[%dma_wait3A_92, %dma_wait3A_93, %dma_wait3A_94] : memref<1024x50x512xf32, #tpu.memory_space<hbm>> -> memref<16x50x512xf32, #tpu.memory_space<hbm>>
    tpu.wait_dma2 semaphore(%arg49 : memref<!tpu.dma_semaphore, #tpu.memory_space<semaphore_mem>>) src(%arg17 : memref<16x50x512xf32, #tpu.memory_space<vmem>>) dst(%dma_wait3A_95 : memref<16x50x512xf32, #tpu.memory_space<hbm>>)
    %dma_wait3A_96 = arith.constant 1008 : i32
    %dma_wait3A_97 = arith.constant 0 : i32
    %dma_wait3A_98 = arith.constant 0 : i32
    %dma_wait3A_99 = tpu.memref_slice %arg2[%dma_wait3A_96, %dma_wait3A_97, %dma_wait3A_98] : memref<1024x50x512xf32, #tpu.memory_space<hbm>> -> memref<16x50x512xf32, #tpu.memory_space<hbm>>
    tpu.wait_dma2 semaphore(%arg50 : memref<!tpu.dma_semaphore, #tpu.memory_space<semaphore_mem>>) src(%arg18 : memref<16x50x512xf32, #tpu.memory_space<vmem>>) dst(%dma_wait3A_99 : memref<16x50x512xf32, #tpu.memory_space<hbm>>)
    return
  }
}

</mosaic_0001>

<sc_bundles>
// kernel: kernel.4.cloned.1.call-start
scs
__scs_entry_jumppad:
0x0: {  	(pc) =	sbr.rel $0x88, $3  }
0x1: {  	(tag) =	ssettag $0x0;
	lr =	simm.s32 $0x1  }
0x2: {  	[smem:$0x3F9E] =	sst lr;
	_ =	strace $0xD0000000  }
0x3: {  	_ = 	snop  }
0x4: {  	_ = 	snop  }
0x5: {  	_ = 	snop  }
0x6: {  	_ = 	snop  }
0x7: {  	_ = 	snop  }
__scs_overlays_trampoline_lowered:
0x8: {  	[smem:$0x3FAD] =	sst s0  }
0x9: {  	[smem:$0x3FAE] =	sst s1  }
0xa: {  	[smem:$0x3FAF] =	sst s2  }
0xb: {  	[smem:$0x3FB0] =	sst s3  }
0xc: {  	[smem:$0x3FB1] =	sst s4  }
0xd: {  	[smem:$0x3FB2] =	sst s5  }
0xe: {  	[smem:$0x3FB3] =	sst s6  }
0xf: {  	[smem:$0x3FB4] =	sst s7  }
0x10: {  	[smem:$0x3FB5] =	sst s8  }
0x11: {  	[smem:$0x3FB6] =	sst s9;
	s0 =	simm.s32 @!p0 $0x0  }
0x12: {  	s1 =	sld [smem:$0x3F9C];
	s0 =	simm.s32 @p0 $0x1  }
0x13: {  	[smem:$0x3FB7] =	sst s0;
	s0 =	simm.s32 @!p1 $0x0  }
0x14: {  	s2 =	sld [smem:$0x3F9B];
	s0 =	simm.s32 @p1 $0x1  }
0x15: {  	[smem:$0x3FB8] =	sst s0;
	s0 =	simm.s32 @!p2 $0x0  }
0x16: {  	s3 =	sld [smem:$0x3FDB];
	s0 =	simm.s32 @p2 $0x1  }
0x17: {  	s4 =	simm.s32 $0x1BF5;
	[smem:$0x3FBA] =	sst s0  }
0x18: {  	s0 =	sld [smem:$0x3F9D];
	_ =	swait.ge [sflag:s4], $0x0  }
0x19: {  	s7 =	sld [smem:$0x3F9E]  }
0x1a: {  	s8 =	sadd.s32 $0xFFFFE003, lr  }
0x1b: {  	s9 =	sadd.s32 $0xFFFFFEF7, lr;
	s5 =	simm.s32 $0xFFFFFFFF;
	p2 =	slt.u32 s8, $0xFFFFF086  }
0x1c: {  	p1 =	slt.u32 s9, $0xF7A;
	s5 =	simm.s32 @!p2 $0x0  }
0x1d: {  	s5 =	simm.s32 @p1 $0x1;
	p0 =	seq.s32 s7, s2  }
0x1e: {  	s7 =	smul.u32 @!p0 $0xF7A, s2;
	p2 =	seq.s32 @!p0 s5, $0x0  }
0x1f: {  	s9 =	smul.u32 $0xF7A, s1;
	s8 =	simm.s32 @!p0 $0x1BF5;
	p2 =	por !p2, p0  }
0x20: {  	[sflag:s8] =	ssyncset.s32 @!p0 $0xFFFFF086;
	s6 =	sadd.s32 @!p0 s3, s7;
	s7 =	simm.s32 @!p0 $0x108  }
0x21: {  	s3 =	sadd.s32 s3, s9;
	s6 =	sadd.s32 @!p0 $0x88, s6;
	s7 =	simm.s32 @p2 $0x1082  }
0x22: {  	[simem:s7], [sflag:s8] =	dma.local @!p0 [hbm:s6], $0xF7A  }
0x23: {  	s9 =	sor.u32 $0xD0000000, s2;
	s6 =	simm.s32 $0x108;
	_ =	swait.ge @!p0 [sflag:s8], $0x0  }
0x24: {  	s3 =	sadd.s32 $0x88, s3;
	s6 =	simm.s32 @!p1 $0x1082;
	[sflag:s4] =	ssyncset.s32 $0xFFFFF086  }
0x25: {  	[simem:s6], [sflag:s4] =	dma.local [hbm:s3], $0xF7A  }
0x26: {  	[smem:$0x3F9E] =	sst s1;
	(tag) =	ssettag s2;
	_ =	strace s9  }
0x27: {  	s1 =	sld [smem:$0x3FAE]  }
0x28: {  	s2 =	sld [smem:$0x3FAF]  }
0x29: {  	s4 =	sld [smem:$0x3FB1]  }
0x2a: {  	p0 =	seq.s32 s5, $0x0;
	s5 =	sld [smem:$0x3FB2]  }
0x2b: {  	s6 =	sld [smem:$0x3FB3]  }
0x2c: {  	s7 =	sld [smem:$0x3FB4]  }
0x2d: {  	s3 =	simm.s32 $0x108;
	s8 =	sld [smem:$0x3FB5]  }
0x2e: {  	s3 =	simm.s32 @!p0 $0x1082;
	s9 =	sld [smem:$0x3FB6]  }
0x2f: {  	lr =	sadd.s32 s0, s3;
	s0 =	sld [smem:$0x3FAD]  }
0x30: {  	s3 =	sld [smem:$0x3FB0]  }
0x31: {  	[smem:$0x3FB9] =	sst s10  }
0x32: {  	s10 =	sld [smem:$0x3FB7];
	_ =	sdelay $0x3  }
0x33: {  	p0 =	seq.s32 s10, $0x1;
	s10 =	sld [smem:$0x3FB9];
	_ =	sdelay $0x3  }
0x34: {  	[smem:$0x3FB9] =	sst s10  }
0x35: {  	s10 =	sld [smem:$0x3FB8];
	_ =	sdelay $0x3  }
0x36: {  	p1 =	seq.s32 s10, $0x1;
	s10 =	sld [smem:$0x3FB9];
	_ =	sdelay $0x3  }
0x37: {  	[smem:$0x3FB9] =	sst s10  }
0x38: {  	s10 =	sld [smem:$0x3FBA]  }
0x39: {  	_ = 	snop;
	(pc) =	sbr.ind lr, $3  }
0x3a: {  	_ = 	snop  }
0x3b: {  	_ = 	snop  }
0x3c: {  	p2 =	seq.s32 s10, $0x1;
	s10 =	sld [smem:$0x3FB9]  }
0x3d: {  	_ =	shalt  }
0x3e: {  	_ =	shalt  }
0x3f: {  	_ =	shalt  }
0x40: {  	_ =	shalt  }
0x41: {  	_ =	shalt  }
0x42: {  	_ =	shalt  }
0x43: {  	_ =	shalt  }
0x44: {  	_ =	shalt  }
0x45: {  	_ =	shalt  }
0x46: {  	_ =	shalt  }
0x47: {  	_ =	shalt  }
0x48: {  	_ =	shalt  }
0x49: {  	_ =	shalt  }
0x4a: {  	_ =	shalt  }
0x4b: {  	_ =	shalt  }
0x4c: {  	_ =	shalt  }
0x4d: {  	_ =	shalt  }
0x4e: {  	_ =	shalt  }
0x4f: {  	_ =	shalt  }
0x50: {  	_ =	shalt  }
0x51: {  	_ =	shalt  }
0x52: {  	_ =	shalt  }
0x53: {  	_ =	shalt  }
0x54: {  	_ =	shalt  }
0x55: {  	_ =	shalt  }
0x56: {  	_ =	shalt  }
0x57: {  	_ =	shalt  }
0x58: {  	_ =	shalt  }
0x59: {  	_ =	shalt  }
0x5a: {  	_ =	shalt  }
0x5b: {  	_ =	shalt  }
0x5c: {  	_ =	shalt  }
0x5d: {  	_ =	shalt  }
0x5e: {  	_ =	shalt  }
0x5f: {  	_ =	shalt  }
0x60: {  	_ =	shalt  }
0x61: {  	_ =	shalt  }
0x62: {  	_ =	shalt  }
0x63: {  	_ =	shalt  }
0x64: {  	_ =	shalt  }
0x65: {  	_ =	shalt  }
0x66: {  	_ =	shalt  }
0x67: {  	_ =	shalt  }
0x68: {  	_ =	shalt  }
0x69: {  	_ =	shalt  }
0x6a: {  	_ =	shalt  }
0x6b: {  	_ =	shalt  }
0x6c: {  	_ =	shalt  }
0x6d: {  	_ =	shalt  }
0x6e: {  	_ =	shalt  }
0x6f: {  	_ =	shalt  }
0x70: {  	_ =	shalt  }
0x71: {  	_ =	shalt  }
0x72: {  	_ =	shalt  }
0x73: {  	_ =	shalt  }
0x74: {  	_ =	shalt  }
0x75: {  	_ =	shalt  }
0x76: {  	_ =	shalt  }
0x77: {  	_ =	shalt  }
0x78: {  	_ =	shalt  }
0x79: {  	_ =	shalt  }
0x7a: {  	_ =	shalt  }
0x7b: {  	_ =	shalt  }
0x7c: {  	_ =	shalt  }
0x7d: {  	_ =	shalt  }
0x7e: {  	_ =	shalt  }
0x7f: {  	_ =	shalt  }
0x80: {  	_ =	shalt  }
0x81: {  	_ =	shalt  }
0x82: {  	_ =	shalt  }
0x83: {  	_ =	shalt  }
0x84: {  	_ =	shalt  }
0x85: {  	_ =	shalt  }
0x86: {  	_ =	shalt  }
0x87: {  	_ =	shalt  }
.Lfunc_end0:
.L_simem_size_0:
called_computation_lowered:
.L_overlay_start_0:
0x88: {  	s2 =	sld [smem:$0x3FD9]  }
0x89: {  	s3 =	sld [smem:$0x3FFE];
	_ =	sdelay $0x1  }
0x8a: {  	s1 =	srdreg.scid  }
0x8b: {  	s0 =	sand.u32 $0x1, s1  }
0x8c: {  	s17 =	sshll.u32 s0, $0xA;
	s2 =	sadd.s32 s3, s2  }
0x8d: {  	s2 =	sadd.s32 s2, s17  }
0x8e: {  	[smem:$0x3FC5] =	sst s2  }
0x8f: {  	_ = 	snop  }
0x90: {  	s2 =	sld [smem:$0x3FC7]  }
0x91: {  	s18 =	sld [smem:$0x3FD0];
	(tm) =	ssettm $0x1  }
0x92: {  	s4 =	sld [smem:$0x3FFB];
	_ =	sdelay $0x3  }
0x93: {  	_ =	strace s4  }
0x94: {  	s4 =	sld [smem:$0x3FFC];
	_ =	sdelay $0x3  }
0x95: {  	_ =	strace s4  }
0x96: {  	s4 =	sld [smem:$0x3FFD];
	_ =	sdelay $0x3  }
0x97: {  	_ =	strace s4  }
0x98: {  	_ =	strace $0x8FFFFFFF  }
0x99: {  	s19 =	sld [smem:$0x3FDB];
	_ =	sdelay $0x1  }
0x9a: {  	s5 =	simm.s32 $_scs_section_size  }
0x9b: {  	s6 =	simm.s32 $_size__tile_overlayer_lowered;
	s7 =	simm.s32 $_tile_overlayer_lowered  }
0x9c: {  	s22 =	simm.s32 $0x1BFF;
	s21 =	sshll.u32 s7, $0x1;
	s4 =	sadd.s32 s5, s19  }
0x9d: {  	s8 =	simm.s32 $0x0;
	s20 =	sshll.u32 s6, $0x1;
	s6 =	sadd.s32 s21, s4  }
0x9e: {  	[timem:s8], [sflag:s22] =	dma.local [hbm:s6], s20  }
0x9f: {  	_ =	swait.ge [sflag:s22], s20  }
0xa0: {  	s5 =	ssub.s32 $0x0, s20;
	[sflag:s22] =	ssyncset.done $0x0  }
0xa1: {  	[sflag:s22] =	ssyncadd.s32 s5;
	_ =	sdelay $0x1  }
0xa2: {  	s23 =	simm.s32 $0x1B8B  }
0xa3: {  	_ =	swait.ge [sflag:s23], $0x1  }
0xa4: {  	[sflag:s23] =	ssyncset.done $0x0  }
0xa5: {  	s25 =	simm.s32 $0x1B8E;
	s24 =	sld [smem:$0x3FFE];
	[sflag:s23] =	ssyncadd.s32 $0xFFFFFFFF  }
0xa6: {  	s26 =	simm.s32 $execute0_lowered;
	[smem:$0x3FD2] =	sst s25  }
0xa7: {  	s6 =	sshll.u32 s26, $0x1;
	_ =	strace $0x80000046;
	[dreg:$0x1] =	wrdreg $0xFFFFFFFF  }
0xa8: {  	s28 =	simm.s32 $_size_execute0_lowered;
	s4 =	sadd.s32 s4, s6;
	[dreg:$0x0] =	wrdreg $0x0  }
0xa9: {  	s6 =	sshll.u32 s28, $0x1;
	[dreg:$0x2] =	wrdreg s4  }
0xaa: {  	[dreg:$0x3] =	wrdreg s6  }
0xab: {  	[dreg:$0x4] =	wrdreg $0xC0  }
0xac: {  	_ =	task [dreg:s8], $0x5FFFF  }
0xad: {  	[dreg:$0x1] =	wrdreg $0xFFFFFFFF  }
0xae: {  	[dreg:$0x0] =	wrdreg $0x60  }
0xaf: {  	[dreg:$0x2] =	wrdreg s24  }
0xb0: {  	[dreg:$0x3] =	wrdreg s2  }
0xb1: {  	[dreg:$0x4] =	wrdreg s18  }
0xb2: {  	[dreg:$0x5] =	wrdreg $0x9  }
0xb3: {  	_ =	task.clear_ibuf [dreg:s8], $0x6FFFF;
	_ =	strace $0x90000046  }
0xb4: {  	s29 =	simm.s32 $0x9;
	_ =	strace $0x80000048  }
0xb5: {  	_ =	swait.ge [sflag:s29], $0x1  }
0xb6: {  	[sflag:s29] =	ssyncadd.s32 $0xFFFFFFFF  }
0xb7: {  	_ =	strace $0x90000048  }
0xb8: {  	_ =	sfence  }
0xb9: {  	s30 =	sld [smem:$0x0];
	_ =	sdelay $0x2  }
0xba: {  	s31 =	sshll.u32 s1, $0xD;
	s1 =	sshrl.u32 s1, $0x2  }
0xbb: {  	s3 =	sand.u32 $0x4000, s31;
	s1 =	sadd.s32 s1, s30  }
0xbc: {  	s0 =	sor.u32 s3, s0;
	s1 =	sshll.u32 s1, $0x11  }
0xbd: {  	s0 =	sor.u32 s1, s0  }
0xbe: {  	s0 =	sadd.s32 $0x8F2B, s0  }
0xbf: {  	[sflag:s0] =	ssyncadd.remote.s32 $0x1  }
0xc0: {  	_ =	sfence.sel $0xFFFF  }
0xc1: {  	[dreg:$0x0] =	wrdreg $0xFFFFFFFF;
	(pc) =	sbr.abs _section_cstart, $3  }
0xc2: {  	[dreg:$0x1] =	wrdreg $0xFFFFFFFF  }
0xc3: {  	_ =	task.clear_ibuf [dreg:s8], $0x2FFFF;
	_ =	strace $0x9FFFFFFF  }
0xc4: {  	(tm) =	ssettm $0x7FFFFFFF  }
0xc5: {  	_ =	shalt  }
tec
execute0_lowered:
.L_overlay_start_1:
0x0: {  	(tag) =	ssettag $0x1  }
0x1: {  	s0 =	srdreg.scid  }
0x2: {  	s5 =	sand.u32 $0x1, s0;
	s0 =	stileid.u32  }
0x3: {  	s6 =	sshll.u32 s0, $0x1;
	s7 =	ssub.s32 $0x0, s5  }
0x4: {  	p0 =	sne.s32 s6, s7  }
.Ltmp0:
0x5: {  	_ = 	snop;
	(pc) =	sbr.rel @p0 .LBB2_3-.Ltmp0, $4  }
0x6: {  	s4 =	rddreg [dreg:$0x0]  }
0x7: {  	s2 =	rddreg [dreg:$0x1]  }
0x8: {  	s3 =	rddreg [dreg:$0x2]  }
0x9: {  	s1 =	rddreg [dreg:$0x3];
	_ =	strace $0x80000047  }
0xa: {  	s6 =	ssub.s32 $0x2, s5;
	s4 =	sadd.s32 $0x600, s4  }
0xb: {  	s5 =	sadd.s32 $0x80, s2;
	s8 =	simm.s32 $0x2;
	s9 =	simm.s32 $0x80  }
0xc: {  	s10 =	simm.s32 $0x880;
	s11 =	simm.s32 $0x1080;
	s12 =	simm.s32 $0x1880  }
0xd: {  	s13 =	simm.s32 $0x2080;
	s14 =	simm.s32 $0x2880;
	s15 =	simm.s32 $0x3080  }
0xe: {  	s16 =	simm.s32 $0x3880;
	s17 =	simm.s32 $0x4080;
	s18 =	simm.s32 $0x4880  }
0xf: {  	v2 =	vlaneseq.u32;
	s19 =	simm.s32 $0x5080;
	s20 =	simm.s32 $0x5880;
	s7 =	sshrl.u32 s6, $0x1  }
0x10: {  	vm0 =	vmmov $0xffff;
	s21 =	simm.s32 $0x6080;
	s22 =	simm.s32 $0x6880;
	v1 =	vshrl.u32 v2, $0x3;
	s6 =	ssub.s32 s6, s7  }
0x11: {  	s23 =	simm.s32 $0x1;
	v0 =	vand.u32 $0x7, v2;
	v2 =	vor.u32 $0x8, v2;
	s7 =	simm.s32 $0x0;
	v1 =	vmul.u32 $0x4, v1;
	s6 =	smax.u32 s6, $0x1  }
.LBB2_2:
0x12: {  	[tilespmem:s7], [sflag:$0x2] =	stream.linear.gather [hbm4b:s4+s7], $0x80, $0x38;
	[tilespmem:$0x7080] =	vst v63  }
0x13: {  	_ =	swait.ge [sflag:s8], $0x80  }
0x14: {  	[sflag:s8] =	ssyncset.done $0x0  }
0x15: {  	[sflag:s8] =	ssyncadd.s32 $0xFFFFFF80  }
0x16: {  	v3 =	vld [tilespmem:$0x0];
	_ =	sdelay $0x4  }
0x17: {  	v4 =	vshll.u32 v3, $0x2  }
0x18: {  	v3 =	vand.u32 $0x3, v3;
	v4 =	vand.u32 $0xFFFFFFF0, v4  }
0x19: {  	v3 =	vor.u32 v3, v4  }
0x1a: {  	v4 =	vperm.xlane v3, v0;
	_ =	sdelay $0x1  }
0x1b: {  	v4 =	vadd.s32 v1, v4;
	_ =	sdelay $0x1  }
0x1c: {  	v3 =	vperm.xlane v3, v2;
	_ =	sdelay $0x1  }
0x1d: {  	v3 =	vadd.s32 v1, v3  }
0x1e: {  	[tilespmem:s9], [sflag:$0x1] =	stream.indirect_vreg.gather [hbm4b:s2+s7], $0x80, v4, vm0, $0xb8;
	[tilespmem:$0x7080] =	vst v63  }
0x1f: {  	_ = 	snop  }
0x20: {  	[tilespmem:s10], [sflag:$0x1] =	stream.indirect_vreg.gather [hbm4b:s5+s7], $0x80, v4, vm0, $0xb8;
	[tilespmem:$0x7080] =	vst v63  }
0x21: {  	_ = 	snop  }
0x22: {  	[tilespmem:s11], [sflag:$0x1] =	stream.indirect_vreg.gather [hbm4b:s2+s7], $0x80, v3, vm0, $0xb8;
	[tilespmem:$0x7080] =	vst v63  }
0x23: {  	_ = 	snop  }
0x24: {  	[tilespmem:s12], [sflag:$0x1] =	stream.indirect_vreg.gather [hbm4b:s5+s7], $0x80, v3, vm0, $0xb8;
	[tilespmem:$0x7080] =	vst v63  }
0x25: {  	v3 =	vld [tilespmem:$0x10];
	_ =	sdelay $0x4  }
0x26: {  	v61 =	vshll.u32 v3, $0x2  }
0x27: {  	v3 =	vand.u32 $0x3, v3;
	v4 =	vand.u32 $0xFFFFFFF0, v61  }
0x28: {  	v3 =	vor.u32 v3, v4  }
0x29: {  	v4 =	vperm.xlane v3, v0;
	_ =	sdelay $0x1  }
0x2a: {  	v4 =	vadd.s32 v1, v4;
	_ =	sdelay $0x1  }
0x2b: {  	v3 =	vperm.xlane v3, v2;
	_ =	sdelay $0x1  }
0x2c: {  	v3 =	vadd.s32 v1, v3  }
0x2d: {  	[tilespmem:s13], [sflag:$0x1] =	stream.indirect_vreg.gather [hbm4b:s2+s7], $0x80, v4, vm0, $0xb8;
	[tilespmem:$0x7080] =	vst v63  }
0x2e: {  	_ = 	snop  }
0x2f: {  	[tilespmem:s14], [sflag:$0x1] =	stream.indirect_vreg.gather [hbm4b:s5+s7], $0x80, v4, vm0, $0xb8;
	[tilespmem:$0x7080] =	vst v63  }
0x30: {  	_ = 	snop  }
0x31: {  	[tilespmem:s15], [sflag:$0x1] =	stream.indirect_vreg.gather [hbm4b:s2+s7], $0x80, v3, vm0, $0xb8;
	[tilespmem:$0x7080] =	vst v63  }
0x32: {  	_ = 	snop  }
0x33: {  	[tilespmem:s16], [sflag:$0x1] =	stream.indirect_vreg.gather [hbm4b:s5+s7], $0x80, v3, vm0, $0xb8;
	[tilespmem:$0x7080] =	vst v63  }
0x34: {  	v3 =	vld [tilespmem:$0x20];
	_ =	sdelay $0x4  }
0x35: {  	v62 =	vshll.u32 v3, $0x2  }
0x36: {  	v3 =	vand.u32 $0x3, v3;
	v4 =	vand.u32 $0xFFFFFFF0, v62  }
0x37: {  	v3 =	vor.u32 v3, v4  }
0x38: {  	v4 =	vperm.xlane v3, v0;
	_ =	sdelay $0x1  }
0x39: {  	v4 =	vadd.s32 v1, v4;
	_ =	sdelay $0x1  }
0x3a: {  	v3 =	vperm.xlane v3, v2;
	_ =	sdelay $0x1  }
0x3b: {  	v3 =	vadd.s32 v1, v3  }
0x3c: {  	[tilespmem:s17], [sflag:$0x1] =	stream.indirect_vreg.gather [hbm4b:s2+s7], $0x80, v4, vm0, $0xb8;
	[tilespmem:$0x7080] =	vst v63  }
0x3d: {  	_ = 	snop  }
0x3e: {  	[tilespmem:s18], [sflag:$0x1] =	stream.indirect_vreg.gather [hbm4b:s5+s7], $0x80, v4, vm0, $0xb8;
	[tilespmem:$0x7080] =	vst v63  }
0x3f: {  	_ = 	snop  }
0x40: {  	[tilespmem:s19], [sflag:$0x1] =	stream.indirect_vreg.gather [hbm4b:s2+s7], $0x80, v3, vm0, $0xb8;
	[tilespmem:$0x7080] =	vst v63  }
0x41: {  	_ = 	snop  }
0x42: {  	[tilespmem:s20], [sflag:$0x1] =	stream.indirect_vreg.gather [hbm4b:s5+s7], $0x80, v3, vm0, $0xb8;
	[tilespmem:$0x7080] =	vst v63  }
0x43: {  	v3 =	vld.msk [tilespmem:$0x30], $0xff;
	_ =	sdelay $0x4  }
0x44: {  	v63 =	vshll.u32 v3, $0x2  }
0x45: {  	v3 =	vand.u32 $0x3, v3;
	v4 =	vand.u32 $0xFFFFFFF0, v63  }
0x46: {  	v3 =	vor.u32 v3, v4  }
0x47: {  	v3 =	vperm.xlane v3, v0;
	_ =	sdelay $0x1  }
0x48: {  	v3 =	vadd.s32 v1, v3;
	_ =	sdelay $0x4  }
0x49: {  	[tilespmem:s21], [sflag:$0x1] =	stream.indirect_vreg.gather [hbm4b:s2+s7], $0x80, v3, vm0, $0xb8;
	[tilespmem:$0x7080] =	vst v63  }
0x4a: {  	_ = 	snop  }
0x4b: {  	[tilespmem:s22], [sflag:$0x1] =	stream.indirect_vreg.gather [hbm4b:s5+s7], $0x80, v3, vm0, $0xb8;
	[tilespmem:$0x7080] =	vst v63  }
0x4c: {  	_ =	swait.ge [sflag:s23], $0x7000  }
0x4d: {  	p0 =	sne.s32 s6, $0x1;
	[sflag:s23] =	ssyncset.done $0x0  }
.Ltmp1:
0x4e: {  	[sflag:s23] =	ssyncadd.s32 $0xFFFF9000;
	(pc) =	sbr.rel @p0 .LBB2_2-.Ltmp1, $4  }
0x4f: {  	[hbm4b:s3+s7] =	stream.linear.scatter [tilespmem:s9], [sflag:$0x2], $0x7000, $0x38;
	[tilespmem:$0x7080] =	vst v63  }
0x50: {  	_ =	swait.ge [sflag:s8], $0x7000  }
0x51: {  	[sflag:s8] =	ssyncset.done $0x0  }
0x52: {  	s6 =	sadd.s32 $0xFFFFFFFF, s6;
	[sflag:s8] =	ssyncadd.s32 $0xFFFF9000  }
.LBB2_3:
0x53: {  	_ =	sfence.sel $0x180000  }
0x54: {  	[bflag:$0x0] =	sbarrier.arrive $0xFFFF  }
0x55: {  	p0 =	sne.s32 s0, $0x0;
	_ =	strace $0x90000047  }
0x56: {  	s0 =	sadd.s32 @!p0 $0x100000, s1;
	[bflag:$0x2] =	sbarrier.arrive $0xFFFF  }
0x57: {  	[sflag:s0] =	ssyncadd.tile.s32 @!p0 $0x1;
	_ =	shalt  }
.Lfunc_end2:
_tile_overlayer_lowered:
.L_overlay_start_2:
0x58: {  	(tag) =	ssettag $0x2  }
0x59: {  	s0 =	rddreg [dreg:$0x0];
	s2 =	stileid.u32  }
0x5a: {  	s1 =	rddreg [dreg:$0x1];
	p0 =	sne.s32 s2, $0x0  }
0x5b: {  	s3 =	rddreg [dreg:$0x2];
	[bflag:$0x3] =	sbarrier.arrive $0xFFFF;
	s2 =	simm.s32 @!p0 $0x1C02  }
0x5c: {  	[timem:s3], [sflag:s2] =	dma.local @!p0 [hbm:s0], s1  }
0x5d: {  	s0 =	simm.s32 @!p0 $0x2  }
0x5e: {  	_ =	swait.ge @!p0 [sflag:s0], s1  }
0x5f: {  	s1 =	ssub.s32 @!p0 $0x0, s1;
	[sflag:s0] =	ssyncset.done @!p0 $0x0  }
0x60: {  	[sflag:s0] =	ssyncadd.s32 @!p0 s1  }
0x61: {  	[bflag:$0x3] =	sbarrier.arrive $0xFFFF  }
0x62: {  	_ =	shalt  }

</sc_bundles>
